<compile_context>
chip_gen: v7x
topology: tpu7x:2x2x1
jax: 0.10.2.dev20260603
libtpu: 0.0.44.dev20260713+nightly
codegen_flags: <defaults>
</compile_context>

<pallas_src>
import functools

import jax
import jax.numpy as jnp
from jax import lax
from jax.experimental import pallas as pl
from jax.experimental.pallas import tpu as pltpu
from jax.experimental.pallas import tpu_sc as plsc

ROWS = 1000
COLS = 65536
L = 16

NW = 32
RPW = 8
SC_ROWS = NW * RPW
SC_COLS = 20480
SC_COL_OFF = COLS - SC_COLS
TC2_ROWS = 240
TC2_BLK = 48
RG = 8
NG = RPW // RG
C = 2048
NCH = SC_COLS // C
U = 4

TC_START = 240
BLOCK_R = 40
TC_ROWS = ROWS - TC_START


def _sc_body(syn_hbm, img_hbm, out_hbm, feat, buf0, buf1, res, sem0, sem1):
    wid = lax.axis_index("s") * 2 + lax.axis_index("c")
    base = wid * RPW

    img_cp = pltpu.async_copy(img_hbm, feat, sem1)
    s0 = jnp.minimum(base, ROWS - RG)
    pltpu.async_copy(syn_hbm.at[pl.ds(s0, RG), pl.ds(SC_COL_OFF, C)], buf0, sem0)
    img_cp.wait()

    ones = jnp.full((L,), 1.0, jnp.float32)
    zeros = jnp.zeros((L,), jnp.float32)

    def _thresh(i, _):
        for u in range(8):
            off = (i * 8 + u) * L
            v = feat[pl.ds(off, L)]
            feat[pl.ds(off, L)] = jnp.where(v > 0.7, ones, zeros)
        return 0

    lax.fori_loop(0, SC_COLS // (L * 8), _thresh, 0)

    def _inner(bufc, k, accs):
        def body(j, accs):
            for u in range(U):
                off = (j * U + u) * L
                fv = feat[pl.ds(k * C + off, L)]
                accs = tuple(
                    accs[r] + bufc[r, pl.ds(off, L)] * fv for r in range(RG)
                )
            return accs

        return lax.fori_loop(0, C // (L * U), body, accs)

    for g in range(NG):
        sg = jnp.minimum(base + g * RG, ROWS - RG)
        sg_next = jnp.minimum(base + (g + 1) * RG, ROWS - RG)
        accs = tuple(jnp.zeros((L,), jnp.float32) for _ in range(RG))

        def _pair(p, accs, sg=sg, sg_next=sg_next):
            k0 = 2 * p
            pltpu.make_async_copy(
                syn_hbm.at[pl.ds(sg, RG), pl.ds(0, C)], buf0, sem0
            ).wait()
            pltpu.async_copy(
                syn_hbm.at[pl.ds(sg, RG), pl.ds(SC_COL_OFF + (k0 + 1) * C, C)],
                buf1, sem1,
            )
            accs = _inner(buf0, k0, accs)
            pltpu.make_async_copy(
                syn_hbm.at[pl.ds(sg, RG), pl.ds(0, C)], buf1, sem1
            ).wait()

            @pl.when(k0 + 2 < NCH)
            def _():
                pltpu.async_copy(
                    syn_hbm.at[pl.ds(sg, RG), pl.ds(SC_COL_OFF + (k0 + 2) * C, C)],
                    buf0, sem0,
                )

            @pl.when(k0 + 2 >= NCH)
            def _():
                pltpu.async_copy(
                    syn_hbm.at[pl.ds(sg_next, RG), pl.ds(SC_COL_OFF, C)], buf0, sem0
                )

            return _inner(buf1, k0 + 1, accs)

        accs = lax.fori_loop(0, NCH // 2, _pair, accs)
        for r in range(RG):
            res[g * RG + r] = accs[r]

    pltpu.make_async_copy(
        syn_hbm.at[pl.ds(0, RG), pl.ds(0, C)], buf0, sem0
    ).wait()
    pltpu.sync_copy(res, out_hbm.at[wid])


def _sc_overlaps(basal_synapses, img_flat):
    mesh = plsc.VectorSubcoreMesh(
        core_axis_name="c", subcore_axis_name="s", num_cores=2, num_subcores=16
    )
    return pl.kernel(
        _sc_body,
        out_type=jax.ShapeDtypeStruct((NW, RPW, L), jnp.float32),
        mesh=mesh,
        scratch_types=[
            pltpu.VMEM((SC_COLS,), jnp.float32),
            pltpu.VMEM((RG, C), jnp.float32),
            pltpu.VMEM((RG, C), jnp.float32),
            pltpu.VMEM((RPW, L), jnp.float32),
            pltpu.SemaphoreType.DMA,
            pltpu.SemaphoreType.DMA,
        ],
    )(basal_synapses, img_flat)


def _tc_body(img_ref, syn_ref, out_ref):
    feat = (img_ref[...] > 0.7).astype(jnp.float32)
    out_ref[...] = jnp.sum(syn_ref[...] * feat, axis=1, keepdims=True)


def _tc_matvec(image, basal_synapses):
    return pl.pallas_call(
        _tc_body,
        grid=(TC_ROWS // BLOCK_R,),
        in_specs=[
            pl.BlockSpec((1, COLS), lambda i: (0, 0)),
            pl.BlockSpec((BLOCK_R, COLS), lambda i: (i + TC_START // BLOCK_R, 0)),
        ],
        out_specs=pl.BlockSpec((BLOCK_R, 1), lambda i: (i, 0)),
        out_shape=jax.ShapeDtypeStruct((TC_ROWS, 1), jnp.float32),
    )(image, basal_synapses)


def _fold_body(acc_ref, tc2_ref, tc_ref, ov_ref, lbl_ref):
    x = acc_ref[...]
    s = jnp.sum(x, axis=1, keepdims=True)[:TC2_ROWS, :] + tc2_ref[...]
    ov = jnp.concatenate([s, tc_ref[...]], axis=0)
    ov_ref[...] = ov
    idx = lax.broadcasted_iota(jnp.int32, (ROWS, 1), 0)
    m = jnp.max(ov)
    lbl_ref[0] = jnp.min(jnp.where(ov == m, idx, ROWS))


def _fold_argmax(acc, tc2_part, tc_part):
    ov, lbl = pl.pallas_call(
        _fold_body,
        out_specs=[
            pl.BlockSpec(memory_space=pltpu.VMEM),
            pl.BlockSpec(memory_space=pltpu.SMEM),
        ],
        out_shape=[
            jax.ShapeDtypeStruct((ROWS, 1), jnp.float32),
            jax.ShapeDtypeStruct((1,), jnp.int32),
        ],
    )(acc, tc2_part, tc_part)
    return ov.reshape(ROWS), lbl[0]


def _tc2_body(img_ref, syn_ref, out_ref):
    feat = (img_ref[...] > 0.7).astype(jnp.float32)
    out_ref[...] = jnp.sum(syn_ref[...] * feat, axis=1, keepdims=True)


def _tc_cols2(image, basal_synapses):
    return pl.pallas_call(
        _tc2_body,
        grid=(TC2_ROWS // TC2_BLK,),
        in_specs=[
            pl.BlockSpec((1, SC_COL_OFF), lambda i: (0, 0)),
            pl.BlockSpec((TC2_BLK, SC_COL_OFF), lambda i: (i, 0)),
        ],
        out_specs=pl.BlockSpec((TC2_BLK, 1), lambda i: (i, 0)),
        out_shape=jax.ShapeDtypeStruct((TC2_ROWS, 1), jnp.float32),
    )(image, basal_synapses)


def kernel(image, basal_synapses):
    sc_acc = _sc_overlaps(basal_synapses, image.reshape(COLS)[SC_COL_OFF:])
    tc2_part = _tc_cols2(image, basal_synapses)
    tc_part = _tc_matvec(image, basal_synapses)
    return _fold_argmax(sc_acc.reshape(SC_ROWS, L), tc2_part, tc_part)

# --- scband reference (transcript-rebuilt; emitter-appended) ---
"""Pipeline reference for scband-pyramidal-neuron-42468636623208 (READ-ONLY COPY).

The authoritative reference and input builder live on the scoring server;
editing this copy changes nothing except your own understanding.
"""

import jax, jax.numpy as jnp
import numpy as np

BASAL_SIZE = 65536
NUM_CLASSES = 1000
SPARSITY = 0.03

def setup_inputs(seed: int = 0) -> dict:
    key = jax.random.key(seed)
    k1, k2 = jax.random.split(key)
    image = jax.random.uniform(k1, (1, BASAL_SIZE), dtype=jnp.float32)
    # Learned/accumulated state: binary synapse table built up by plasticity().
    # Materialize at the module's stated sparsity (0/1 floats, as in the torch code).
    basal_synapses = (jax.random.uniform(k2, (NUM_CLASSES, BASAL_SIZE), dtype=jnp.float32) < SPARSITY).astype(jnp.float32)
    return {"image": image, "basal_synapses": basal_synapses}

def reference(image, basal_synapses):
    # basal_encoder: scatter-overwrite 1.0 at active (>0.7) pixel indices
    basal_features = (image > 0.7).astype(jnp.float32)
    # inference_phase: per-class boolean overlap (vectorized over the class loop)
    overlaps = jnp.sum(basal_features.astype(bool) & basal_synapses.astype(bool), axis=1).astype(jnp.float32)
    predicted_label = jnp.argmax(overlaps)
    return overlaps, predicted_label

if __name__ == "__main__":
    import jax
    _d = setup_inputs()
    print(jax.jit(kernel)(*tuple(_d.values())))

</pallas_src>

<mosaic_0001>
#map = affine_map<(d0, d1) -> (0, 0)>
#map1 = affine_map<(d0, d1) -> (0)>
#map2 = affine_map<(d0, d1) -> (0, 0, 0)>
module attributes {stable_mosaic.version = 14 : i64} {
  func.func @_sc_body(%arg0: i32, %arg1: i32, %arg2: memref<1000x65536xf32, #tpu.memory_space<hbm>>, %arg3: memref<20480xf32, #tpu.memory_space<hbm>>, %arg4: memref<32x8x16xf32, #tpu.memory_space<hbm>>, %arg5: memref<20480xf32, #tpu.memory_space<vmem>>, %arg6: memref<8x2048xf32, #tpu.memory_space<vmem>>, %arg7: memref<8x2048xf32, #tpu.memory_space<vmem>>, %arg8: memref<8x16xf32, #tpu.memory_space<vmem>>, %arg9: memref<!tpu.dma_semaphore, #tpu.memory_space<semaphore_mem>>, %arg10: memref<!tpu.dma_semaphore, #tpu.memory_space<semaphore_mem>>) attributes {dimension_semantics = [#tpu.dimension_semantics<core_parallel>, #tpu.dimension_semantics<subcore_parallel>], iteration_bounds = array<i64: 2, 16>, scalar_prefetch = 0 : i64, scratch_operands = 6 : i64, tpu.core_type = #tpu.core_type<sc_vector_subcore>, window_params = [{transform_indices = #map}, {transform_indices = #map1}, {transform_indices = #map2}]} {
    %mul3A = arith.constant 2 : i32
    %mul3A_0 = arith.muli %arg1, %mul3A : i32
    %add3A = arith.addi %mul3A_0, %arg0 : i32
    %mul3A_1 = arith.constant 8 : i32
    %mul3A_2 = arith.muli %add3A, %mul3A_1 : i32
    tpu.enqueue_dma source(%arg3 : memref<20480xf32, #tpu.memory_space<hbm>>) target(%arg5 : memref<20480xf32, #tpu.memory_space<vmem>>) target_semaphore(%arg10 : memref<!tpu.dma_semaphore, #tpu.memory_space<semaphore_mem>>)
    %min3A = arith.constant 992 : i32
    %min3A_3 = arith.minsi %mul3A_2, %min3A : i32
    %dma_start3A = arith.constant 45056 : i32
    %dma_start3A_4 = tpu.memref_slice %arg2[%min3A_3, %dma_start3A] : memref<1000x65536xf32, #tpu.memory_space<hbm>> -> memref<8x2048xf32, #tpu.memory_space<hbm>>
    %dma_start3A_5 = arith.constant 45056 : i32
    %dma_start3A_6 = tpu.memref_slice %arg2[%min3A_3, %dma_start3A_5] : memref<1000x65536xf32, #tpu.memory_space<hbm>> -> memref<8x2048xf32, #tpu.memory_space<hbm>>
    tpu.enqueue_dma source(%dma_start3A_6 : memref<8x2048xf32, #tpu.memory_space<hbm>>) target(%arg6 : memref<8x2048xf32, #tpu.memory_space<vmem>>) target_semaphore(%arg9 : memref<!tpu.dma_semaphore, #tpu.memory_space<semaphore_mem>>)
    tpu.wait_dma2 semaphore(%arg10 : memref<!tpu.dma_semaphore, #tpu.memory_space<semaphore_mem>>) src(%arg3 : memref<20480xf32, #tpu.memory_space<hbm>>) dst(%arg5 : memref<20480xf32, #tpu.memory_space<vmem>>)
    %broadcast_in_dim3A = arith.constant 1.000000e+00 : f32
    %broadcast_in_dim3A_7 = vector.broadcast %broadcast_in_dim3A : f32 to vector<16xf32>
    %broadcast_in_dim3A_8 = arith.constant 0.000000e+00 : f32
    %broadcast_in_dim3A_9 = vector.broadcast %broadcast_in_dim3A_8 : f32 to vector<16xf32>
    %scan3A = arith.constant 0 : i32
    %scan3A_10 = arith.constant 0 : i32
    %scan3A_11 = arith.constant 160 : i32
    %scan3A_12 = arith.addi %scan3A_10, %scan3A_11 : i32
    %scan3A_13 = arith.constant 1 : i32
    %scan3A_14 = scf.for %scan3A_98 = %scan3A_10 to %scan3A_12 step %scan3A_13 iter_args(%scan3A_99 = %scan3A) -> (i32)  : i32 {
      %mul3A_100 = arith.constant 8 : i32
      %mul3A_101 = arith.muli %scan3A_98, %mul3A_100 : i32
      %add3A_102 = arith.constant 0 : i32
      %add3A_103 = arith.addi %mul3A_101, %add3A_102 : i32
      %mul3A_104 = arith.constant 16 : i32
      %mul3A_105 = arith.muli %add3A_103, %mul3A_104 : i32
      %get3A = arith.index_cast %mul3A_105 : i32 to index
      %get3A_106 = tpu.vector_load %arg5[%get3A] {strides = array<i32>} : memref<20480xf32, #tpu.memory_space<vmem>>, vector<16xf32>,
      %get3A_107 = vector.shape_cast %get3A_106 : vector<16xf32> to vector<16xf32>
      %gt3A = arith.constant 0.699999988 : f32
      %gt3A_108 = vector.broadcast %gt3A : f32 to vector<16xf32>
      %gt3A_109 = arith.cmpf ogt, %get3A_107, %gt3A_108 : vector<16xf32>
      %select_n3A = arith.select %gt3A_109, %broadcast_in_dim3A_7, %broadcast_in_dim3A_9 : vector<16xi1>, vector<16xf32>
      %swap3A_110 = arith.index_cast %mul3A_105 : i32 to index
      %swap3A_111 = tpu.vector_load %arg5[%swap3A_110] {strides = array<i32>} : memref<20480xf32, #tpu.memory_space<vmem>>, vector<16xf32>,
      %swap3A_112 = vector.shape_cast %swap3A_111 : vector<16xf32> to vector<16xf32>
      %swap3A_113 = vector.shape_cast %select_n3A : vector<16xf32> to vector<16xf32>
      tpu.vector_store %arg5[%swap3A_110], %swap3A_113 {strides = array<i32>} : memref<20480xf32, #tpu.memory_space<vmem>>, vector<16xf32>,
      %mul3A_114 = arith.constant 8 : i32
      %mul3A_115 = arith.muli %scan3A_98, %mul3A_114 : i32
      %add3A_116 = arith.constant 1 : i32
      %add3A_117 = arith.addi %mul3A_115, %add3A_116 : i32
      %mul3A_118 = arith.constant 16 : i32
      %mul3A_119 = arith.muli %add3A_117, %mul3A_118 : i32
      %get3A_120 = arith.index_cast %mul3A_119 : i32 to index
      %get3A_121 = tpu.vector_load %arg5[%get3A_120] {strides = array<i32>} : memref<20480xf32, #tpu.memory_space<vmem>>, vector<16xf32>,
      %get3A_122 = vector.shape_cast %get3A_121 : vector<16xf32> to vector<16xf32>
      %gt3A_123 = arith.constant 0.699999988 : f32
      %gt3A_124 = vector.broadcast %gt3A_123 : f32 to vector<16xf32>
      %gt3A_125 = arith.cmpf ogt, %get3A_122, %gt3A_124 : vector<16xf32>
      %select_n3A_126 = arith.select %gt3A_125, %broadcast_in_dim3A_7, %broadcast_in_dim3A_9 : vector<16xi1>, vector<16xf32>
      %swap3A_127 = arith.index_cast %mul3A_119 : i32 to index
      %swap3A_128 = tpu.vector_load %arg5[%swap3A_127] {strides = array<i32>} : memref<20480xf32, #tpu.memory_space<vmem>>, vector<16xf32>,
      %swap3A_129 = vector.shape_cast %swap3A_128 : vector<16xf32> to vector<16xf32>
      %swap3A_130 = vector.shape_cast %select_n3A_126 : vector<16xf32> to vector<16xf32>
      tpu.vector_store %arg5[%swap3A_127], %swap3A_130 {strides = array<i32>} : memref<20480xf32, #tpu.memory_space<vmem>>, vector<16xf32>,
      %mul3A_131 = arith.constant 8 : i32
      %mul3A_132 = arith.muli %scan3A_98, %mul3A_131 : i32
      %add3A_133 = arith.constant 2 : i32
      %add3A_134 = arith.addi %mul3A_132, %add3A_133 : i32
      %mul3A_135 = arith.constant 16 : i32
      %mul3A_136 = arith.muli %add3A_134, %mul3A_135 : i32
      %get3A_137 = arith.index_cast %mul3A_136 : i32 to index
      %get3A_138 = tpu.vector_load %arg5[%get3A_137] {strides = array<i32>} : memref<20480xf32, #tpu.memory_space<vmem>>, vector<16xf32>,
      %get3A_139 = vector.shape_cast %get3A_138 : vector<16xf32> to vector<16xf32>
      %gt3A_140 = arith.constant 0.699999988 : f32
      %gt3A_141 = vector.broadcast %gt3A_140 : f32 to vector<16xf32>
      %gt3A_142 = arith.cmpf ogt, %get3A_139, %gt3A_141 : vector<16xf32>
      %select_n3A_143 = arith.select %gt3A_142, %broadcast_in_dim3A_7, %broadcast_in_dim3A_9 : vector<16xi1>, vector<16xf32>
      %swap3A_144 = arith.index_cast %mul3A_136 : i32 to index
      %swap3A_145 = tpu.vector_load %arg5[%swap3A_144] {strides = array<i32>} : memref<20480xf32, #tpu.memory_space<vmem>>, vector<16xf32>,
      %swap3A_146 = vector.shape_cast %swap3A_145 : vector<16xf32> to vector<16xf32>
      %swap3A_147 = vector.shape_cast %select_n3A_143 : vector<16xf32> to vector<16xf32>
      tpu.vector_store %arg5[%swap3A_144], %swap3A_147 {strides = array<i32>} : memref<20480xf32, #tpu.memory_space<vmem>>, vector<16xf32>,
      %mul3A_148 = arith.constant 8 : i32
      %mul3A_149 = arith.muli %scan3A_98, %mul3A_148 : i32
      %add3A_150 = arith.constant 3 : i32
      %add3A_151 = arith.addi %mul3A_149, %add3A_150 : i32
      %mul3A_152 = arith.constant 16 : i32
      %mul3A_153 = arith.muli %add3A_151, %mul3A_152 : i32
      %get3A_154 = arith.index_cast %mul3A_153 : i32 to index
      %get3A_155 = tpu.vector_load %arg5[%get3A_154] {strides = array<i32>} : memref<20480xf32, #tpu.memory_space<vmem>>, vector<16xf32>,
      %get3A_156 = vector.shape_cast %get3A_155 : vector<16xf32> to vector<16xf32>
      %gt3A_157 = arith.constant 0.699999988 : f32
      %gt3A_158 = vector.broadcast %gt3A_157 : f32 to vector<16xf32>
      %gt3A_159 = arith.cmpf ogt, %get3A_156, %gt3A_158 : vector<16xf32>
      %select_n3A_160 = arith.select %gt3A_159, %broadcast_in_dim3A_7, %broadcast_in_dim3A_9 : vector<16xi1>, vector<16xf32>
      %swap3A_161 = arith.index_cast %mul3A_153 : i32 to index
      %swap3A_162 = tpu.vector_load %arg5[%swap3A_161] {strides = array<i32>} : memref<20480xf32, #tpu.memory_space<vmem>>, vector<16xf32>,
      %swap3A_163 = vector.shape_cast %swap3A_162 : vector<16xf32> to vector<16xf32>
      %swap3A_164 = vector.shape_cast %select_n3A_160 : vector<16xf32> to vector<16xf32>
      tpu.vector_store %arg5[%swap3A_161], %swap3A_164 {strides = array<i32>} : memref<20480xf32, #tpu.memory_space<vmem>>, vector<16xf32>,
      %mul3A_165 = arith.constant 8 : i32
      %mul3A_166 = arith.muli %scan3A_98, %mul3A_165 : i32
      %add3A_167 = arith.constant 4 : i32
      %add3A_168 = arith.addi %mul3A_166, %add3A_167 : i32
      %mul3A_169 = arith.constant 16 : i32
      %mul3A_170 = arith.muli %add3A_168, %mul3A_169 : i32
      %get3A_171 = arith.index_cast %mul3A_170 : i32 to index
      %get3A_172 = tpu.vector_load %arg5[%get3A_171] {strides = array<i32>} : memref<20480xf32, #tpu.memory_space<vmem>>, vector<16xf32>,
      %get3A_173 = vector.shape_cast %get3A_172 : vector<16xf32> to vector<16xf32>
      %gt3A_174 = arith.constant 0.699999988 : f32
      %gt3A_175 = vector.broadcast %gt3A_174 : f32 to vector<16xf32>
      %gt3A_176 = arith.cmpf ogt, %get3A_173, %gt3A_175 : vector<16xf32>
      %select_n3A_177 = arith.select %gt3A_176, %broadcast_in_dim3A_7, %broadcast_in_dim3A_9 : vector<16xi1>, vector<16xf32>
      %swap3A_178 = arith.index_cast %mul3A_170 : i32 to index
      %swap3A_179 = tpu.vector_load %arg5[%swap3A_178] {strides = array<i32>} : memref<20480xf32, #tpu.memory_space<vmem>>, vector<16xf32>,
      %swap3A_180 = vector.shape_cast %swap3A_179 : vector<16xf32> to vector<16xf32>
      %swap3A_181 = vector.shape_cast %select_n3A_177 : vector<16xf32> to vector<16xf32>
      tpu.vector_store %arg5[%swap3A_178], %swap3A_181 {strides = array<i32>} : memref<20480xf32, #tpu.memory_space<vmem>>, vector<16xf32>,
      %mul3A_182 = arith.constant 8 : i32
      %mul3A_183 = arith.muli %scan3A_98, %mul3A_182 : i32
      %add3A_184 = arith.constant 5 : i32
      %add3A_185 = arith.addi %mul3A_183, %add3A_184 : i32
      %mul3A_186 = arith.constant 16 : i32
      %mul3A_187 = arith.muli %add3A_185, %mul3A_186 : i32
      %get3A_188 = arith.index_cast %mul3A_187 : i32 to index
      %get3A_189 = tpu.vector_load %arg5[%get3A_188] {strides = array<i32>} : memref<20480xf32, #tpu.memory_space<vmem>>, vector<16xf32>,
      %get3A_190 = vector.shape_cast %get3A_189 : vector<16xf32> to vector<16xf32>
      %gt3A_191 = arith.constant 0.699999988 : f32
      %gt3A_192 = vector.broadcast %gt3A_191 : f32 to vector<16xf32>
      %gt3A_193 = arith.cmpf ogt, %get3A_190, %gt3A_192 : vector<16xf32>
      %select_n3A_194 = arith.select %gt3A_193, %broadcast_in_dim3A_7, %broadcast_in_dim3A_9 : vector<16xi1>, vector<16xf32>
      %swap3A_195 = arith.index_cast %mul3A_187 : i32 to index
      %swap3A_196 = tpu.vector_load %arg5[%swap3A_195] {strides = array<i32>} : memref<20480xf32, #tpu.memory_space<vmem>>, vector<16xf32>,
      %swap3A_197 = vector.shape_cast %swap3A_196 : vector<16xf32> to vector<16xf32>
      %swap3A_198 = vector.shape_cast %select_n3A_194 : vector<16xf32> to vector<16xf32>
      tpu.vector_store %arg5[%swap3A_195], %swap3A_198 {strides = array<i32>} : memref<20480xf32, #tpu.memory_space<vmem>>, vector<16xf32>,
      %mul3A_199 = arith.constant 8 : i32
      %mul3A_200 = arith.muli %scan3A_98, %mul3A_199 : i32
      %add3A_201 = arith.constant 6 : i32
      %add3A_202 = arith.addi %mul3A_200, %add3A_201 : i32
      %mul3A_203 = arith.constant 16 : i32
      %mul3A_204 = arith.muli %add3A_202, %mul3A_203 : i32
      %get3A_205 = arith.index_cast %mul3A_204 : i32 to index
      %get3A_206 = tpu.vector_load %arg5[%get3A_205] {strides = array<i32>} : memref<20480xf32, #tpu.memory_space<vmem>>, vector<16xf32>,
      %get3A_207 = vector.shape_cast %get3A_206 : vector<16xf32> to vector<16xf32>
      %gt3A_208 = arith.constant 0.699999988 : f32
      %gt3A_209 = vector.broadcast %gt3A_208 : f32 to vector<16xf32>
      %gt3A_210 = arith.cmpf ogt, %get3A_207, %gt3A_209 : vector<16xf32>
      %select_n3A_211 = arith.select %gt3A_210, %broadcast_in_dim3A_7, %broadcast_in_dim3A_9 : vector<16xi1>, vector<16xf32>
      %swap3A_212 = arith.index_cast %mul3A_204 : i32 to index
      %swap3A_213 = tpu.vector_load %arg5[%swap3A_212] {strides = array<i32>} : memref<20480xf32, #tpu.memory_space<vmem>>, vector<16xf32>,
      %swap3A_214 = vector.shape_cast %swap3A_213 : vector<16xf32> to vector<16xf32>
      %swap3A_215 = vector.shape_cast %select_n3A_211 : vector<16xf32> to vector<16xf32>
      tpu.vector_store %arg5[%swap3A_212], %swap3A_215 {strides = array<i32>} : memref<20480xf32, #tpu.memory_space<vmem>>, vector<16xf32>,
      %mul3A_216 = arith.constant 8 : i32
      %mul3A_217 = arith.muli %scan3A_98, %mul3A_216 : i32
      %add3A_218 = arith.constant 7 : i32
      %add3A_219 = arith.addi %mul3A_217, %add3A_218 : i32
      %mul3A_220 = arith.constant 16 : i32
      %mul3A_221 = arith.muli %add3A_219, %mul3A_220 : i32
      %get3A_222 = arith.index_cast %mul3A_221 : i32 to index
      %get3A_223 = tpu.vector_load %arg5[%get3A_222] {strides = array<i32>} : memref<20480xf32, #tpu.memory_space<vmem>>, vector<16xf32>,
      %get3A_224 = vector.shape_cast %get3A_223 : vector<16xf32> to vector<16xf32>
      %gt3A_225 = arith.constant 0.699999988 : f32
      %gt3A_226 = vector.broadcast %gt3A_225 : f32 to vector<16xf32>
      %gt3A_227 = arith.cmpf ogt, %get3A_224, %gt3A_226 : vector<16xf32>
      %select_n3A_228 = arith.select %gt3A_227, %broadcast_in_dim3A_7, %broadcast_in_dim3A_9 : vector<16xi1>, vector<16xf32>
      %swap3A_229 = arith.index_cast %mul3A_221 : i32 to index
      %swap3A_230 = tpu.vector_load %arg5[%swap3A_229] {strides = array<i32>} : memref<20480xf32, #tpu.memory_space<vmem>>, vector<16xf32>,
      %swap3A_231 = vector.shape_cast %swap3A_230 : vector<16xf32> to vector<16xf32>
      %swap3A_232 = vector.shape_cast %select_n3A_228 : vector<16xf32> to vector<16xf32>
      tpu.vector_store %arg5[%swap3A_229], %swap3A_232 {strides = array<i32>} : memref<20480xf32, #tpu.memory_space<vmem>>, vector<16xf32>,
      %scan3A_233 = arith.constant 0 : i32
      scf.yield %scan3A_233 : i32
    }
    %scan3A_15 = arith.constant 160 : i32
    %add3A_16 = arith.constant 0 : i32
    %add3A_17 = arith.addi %mul3A_2, %add3A_16 : i32
    %min3A_18 = arith.constant 992 : i32
    %min3A_19 = arith.minsi %add3A_17, %min3A_18 : i32
    %add3A_20 = arith.constant 8 : i32
    %add3A_21 = arith.addi %mul3A_2, %add3A_20 : i32
    %min3A_22 = arith.constant 992 : i32
    %min3A_23 = arith.minsi %add3A_21, %min3A_22 : i32
    %broadcast_in_dim3A_24 = arith.constant 0.000000e+00 : f32
    %broadcast_in_dim3A_25 = vector.broadcast %broadcast_in_dim3A_24 : f32 to vector<16xf32>
    %broadcast_in_dim3A_26 = arith.constant 0.000000e+00 : f32
    %broadcast_in_dim3A_27 = vector.broadcast %broadcast_in_dim3A_26 : f32 to vector<16xf32>
    %broadcast_in_dim3A_28 = arith.constant 0.000000e+00 : f32
    %broadcast_in_dim3A_29 = vector.broadcast %broadcast_in_dim3A_28 : f32 to vector<16xf32>
    %broadcast_in_dim3A_30 = arith.constant 0.000000e+00 : f32
    %broadcast_in_dim3A_31 = vector.broadcast %broadcast_in_dim3A_30 : f32 to vector<16xf32>
    %broadcast_in_dim3A_32 = arith.constant 0.000000e+00 : f32
    %broadcast_in_dim3A_33 = vector.broadcast %broadcast_in_dim3A_32 : f32 to vector<16xf32>
    %broadcast_in_dim3A_34 = arith.constant 0.000000e+00 : f32
    %broadcast_in_dim3A_35 = vector.broadcast %broadcast_in_dim3A_34 : f32 to vector<16xf32>
    %broadcast_in_dim3A_36 = arith.constant 0.000000e+00 : f32
    %broadcast_in_dim3A_37 = vector.broadcast %broadcast_in_dim3A_36 : f32 to vector<16xf32>
    %broadcast_in_dim3A_38 = arith.constant 0.000000e+00 : f32
    %broadcast_in_dim3A_39 = vector.broadcast %broadcast_in_dim3A_38 : f32 to vector<16xf32>
    %scan3A_40 = arith.constant 0 : i32
    %scan3A_41 = arith.constant 5 : i32
    %scan3A_42 = arith.addi %scan3A_40, %scan3A_41 : i32
    %scan3A_43 = arith.constant 1 : i32
    %scan3A_44:8 = scf.for %scan3A_98 = %scan3A_40 to %scan3A_42 step %scan3A_43 iter_args(%scan3A_99 = %broadcast_in_dim3A_25, %scan3A_100 = %broadcast_in_dim3A_27, %scan3A_101 = %broadcast_in_dim3A_29, %scan3A_102 = %broadcast_in_dim3A_31, %scan3A_103 = %broadcast_in_dim3A_33, %scan3A_104 = %broadcast_in_dim3A_35, %scan3A_105 = %broadcast_in_dim3A_37, %scan3A_106 = %broadcast_in_dim3A_39) -> (vector<16xf32>, vector<16xf32>, vector<16xf32>, vector<16xf32>, vector<16xf32>, vector<16xf32>, vector<16xf32>, vector<16xf32>)  : i32 {
      %mul3A_107 = arith.constant 2 : i32
      %mul3A_108 = arith.muli %mul3A_107, %scan3A_98 : i32
      %dma_wait3A_109 = arith.constant 0 : i32
      %dma_wait3A_110 = tpu.memref_slice %arg2[%min3A_19, %dma_wait3A_109] : memref<1000x65536xf32, #tpu.memory_space<hbm>> -> memref<8x2048xf32, #tpu.memory_space<hbm>>
      %dma_wait3A_111 = arith.constant 0 : i32
      %dma_wait3A_112 = tpu.memref_slice %arg2[%min3A_19, %dma_wait3A_111] : memref<1000x65536xf32, #tpu.memory_space<hbm>> -> memref<8x2048xf32, #tpu.memory_space<hbm>>
      tpu.wait_dma2 semaphore(%arg9 : memref<!tpu.dma_semaphore, #tpu.memory_space<semaphore_mem>>) src(%dma_wait3A_112 : memref<8x2048xf32, #tpu.memory_space<hbm>>) dst(%arg6 : memref<8x2048xf32, #tpu.memory_space<vmem>>)
      %add3A_113 = arith.constant 1 : i32
      %add3A_114 = arith.addi %mul3A_108, %add3A_113 : i32
      %mul3A_115 = arith.constant 2048 : i32
      %mul3A_116 = arith.muli %add3A_114, %mul3A_115 : i32
      %add3A_117 = arith.constant 45056 : i32
      %add3A_118 = arith.addi %add3A_117, %mul3A_116 : i32
      %dma_start3A_119 = tpu.memref_slice %arg2[%min3A_19, %add3A_118] : memref<1000x65536xf32, #tpu.memory_space<hbm>> -> memref<8x2048xf32, #tpu.memory_space<hbm>>
      %dma_start3A_120 = tpu.memref_slice %arg2[%min3A_19, %add3A_118] : memref<1000x65536xf32, #tpu.memory_space<hbm>> -> memref<8x2048xf32, #tpu.memory_space<hbm>>
      tpu.enqueue_dma source(%dma_start3A_120 : memref<8x2048xf32, #tpu.memory_space<hbm>>) target(%arg7 : memref<8x2048xf32, #tpu.memory_space<vmem>>) target_semaphore(%arg10 : memref<!tpu.dma_semaphore, #tpu.memory_space<semaphore_mem>>)
      %scan3A_121 = arith.constant 0 : i32
      %scan3A_122 = arith.constant 32 : i32
      %scan3A_123 = arith.addi %scan3A_121, %scan3A_122 : i32
      %scan3A_124 = arith.constant 1 : i32
      %scan3A_125:8 = scf.for %scan3A_149 = %scan3A_121 to %scan3A_123 step %scan3A_124 iter_args(%scan3A_150 = %scan3A_99, %scan3A_151 = %scan3A_100, %scan3A_152 = %scan3A_101, %scan3A_153 = %scan3A_102, %scan3A_154 = %scan3A_103, %scan3A_155 = %scan3A_104, %scan3A_156 = %scan3A_105, %scan3A_157 = %scan3A_106) -> (vector<16xf32>, vector<16xf32>, vector<16xf32>, vector<16xf32>, vector<16xf32>, vector<16xf32>, vector<16xf32>, vector<16xf32>)  : i32 {
        %mul3A_158 = arith.constant 4 : i32
        %mul3A_159 = arith.muli %scan3A_149, %mul3A_158 : i32
        %add3A_160 = arith.constant 0 : i32
        %add3A_161 = arith.addi %mul3A_159, %add3A_160 : i32
        %mul3A_162 = arith.constant 16 : i32
        %mul3A_163 = arith.muli %add3A_161, %mul3A_162 : i32
        %mul3A_164 = arith.constant 2048 : i32
        %mul3A_165 = arith.muli %mul3A_108, %mul3A_164 : i32
        %add3A_166 = arith.addi %mul3A_165, %mul3A_163 : i32
        %get3A = arith.index_cast %add3A_166 : i32 to index
        %get3A_167 = tpu.vector_load %arg5[%get3A] {strides = array<i32>} : memref<20480xf32, #tpu.memory_space<vmem>>, vector<16xf32>,
        %get3A_168 = vector.shape_cast %get3A_167 : vector<16xf32> to vector<16xf32>
        %get3A_169 = arith.constant 0 : i32
        %get3A_170 = arith.index_cast %get3A_169 : i32 to index
        %get3A_171 = arith.index_cast %mul3A_163 : i32 to index
        %get3A_172 = tpu.vector_load %arg6[%get3A_170, %get3A_171] {strides = array<i32>} : memref<8x2048xf32, #tpu.memory_space<vmem>>, vector<1x16xf32>,
        %get3A_173 = vector.shape_cast %get3A_172 : vector<1x16xf32> to vector<16xf32>
        %mul3A_174 = arith.mulf %get3A_173, %get3A_168 : vector<16xf32>
        %add3A_175 = arith.addf %scan3A_150, %mul3A_174 : vector<16xf32>
        %get3A_176 = arith.constant 1 : i32
        %get3A_177 = arith.index_cast %get3A_176 : i32 to index
        %get3A_178 = arith.index_cast %mul3A_163 : i32 to index
        %get3A_179 = tpu.vector_load %arg6[%get3A_177, %get3A_178] {strides = array<i32>} : memref<8x2048xf32, #tpu.memory_space<vmem>>, vector<1x16xf32>,
        %get3A_180 = vector.shape_cast %get3A_179 : vector<1x16xf32> to vector<16xf32>
        %mul3A_181 = arith.mulf %get3A_180, %get3A_168 : vector<16xf32>
        %add3A_182 = arith.addf %scan3A_151, %mul3A_181 : vector<16xf32>
        %get3A_183 = arith.constant 2 : i32
        %get3A_184 = arith.index_cast %get3A_183 : i32 to index
        %get3A_185 = arith.index_cast %mul3A_163 : i32 to index
        %get3A_186 = tpu.vector_load %arg6[%get3A_184, %get3A_185] {strides = array<i32>} : memref<8x2048xf32, #tpu.memory_space<vmem>>, vector<1x16xf32>,
        %get3A_187 = vector.shape_cast %get3A_186 : vector<1x16xf32> to vector<16xf32>
        %mul3A_188 = arith.mulf %get3A_187, %get3A_168 : vector<16xf32>
        %add3A_189 = arith.addf %scan3A_152, %mul3A_188 : vector<16xf32>
        %get3A_190 = arith.constant 3 : i32
        %get3A_191 = arith.index_cast %get3A_190 : i32 to index
        %get3A_192 = arith.index_cast %mul3A_163 : i32 to index
        %get3A_193 = tpu.vector_load %arg6[%get3A_191, %get3A_192] {strides = array<i32>} : memref<8x2048xf32, #tpu.memory_space<vmem>>, vector<1x16xf32>,
        %get3A_194 = vector.shape_cast %get3A_193 : vector<1x16xf32> to vector<16xf32>
        %mul3A_195 = arith.mulf %get3A_194, %get3A_168 : vector<16xf32>
        %add3A_196 = arith.addf %scan3A_153, %mul3A_195 : vector<16xf32>
        %get3A_197 = arith.constant 4 : i32
        %get3A_198 = arith.index_cast %get3A_197 : i32 to index
        %get3A_199 = arith.index_cast %mul3A_163 : i32 to index
        %get3A_200 = tpu.vector_load %arg6[%get3A_198, %get3A_199] {strides = array<i32>} : memref<8x2048xf32, #tpu.memory_space<vmem>>, vector<1x16xf32>,
        %get3A_201 = vector.shape_cast %get3A_200 : vector<1x16xf32> to vector<16xf32>
        %mul3A_202 = arith.mulf %get3A_201, %get3A_168 : vector<16xf32>
        %add3A_203 = arith.addf %scan3A_154, %mul3A_202 : vector<16xf32>
        %get3A_204 = arith.constant 5 : i32
        %get3A_205 = arith.index_cast %get3A_204 : i32 to index
        %get3A_206 = arith.index_cast %mul3A_163 : i32 to index
        %get3A_207 = tpu.vector_load %arg6[%get3A_205, %get3A_206] {strides = array<i32>} : memref<8x2048xf32, #tpu.memory_space<vmem>>, vector<1x16xf32>,
        %get3A_208 = vector.shape_cast %get3A_207 : vector<1x16xf32> to vector<16xf32>
        %mul3A_209 = arith.mulf %get3A_208, %get3A_168 : vector<16xf32>
        %add3A_210 = arith.addf %scan3A_155, %mul3A_209 : vector<16xf32>
        %get3A_211 = arith.constant 6 : i32
        %get3A_212 = arith.index_cast %get3A_211 : i32 to index
        %get3A_213 = arith.index_cast %mul3A_163 : i32 to index
        %get3A_214 = tpu.vector_load %arg6[%get3A_212, %get3A_213] {strides = array<i32>} : memref<8x2048xf32, #tpu.memory_space<vmem>>, vector<1x16xf32>,
        %get3A_215 = vector.shape_cast %get3A_214 : vector<1x16xf32> to vector<16xf32>
        %mul3A_216 = arith.mulf %get3A_215, %get3A_168 : vector<16xf32>
        %add3A_217 = arith.addf %scan3A_156, %mul3A_216 : vector<16xf32>
        %get3A_218 = arith.constant 7 : i32
        %get3A_219 = arith.index_cast %get3A_218 : i32 to index
        %get3A_220 = arith.index_cast %mul3A_163 : i32 to index
        %get3A_221 = tpu.vector_load %arg6[%get3A_219, %get3A_220] {strides = array<i32>} : memref<8x2048xf32, #tpu.memory_space<vmem>>, vector<1x16xf32>,
        %get3A_222 = vector.shape_cast %get3A_221 : vector<1x16xf32> to vector<16xf32>
        %mul3A_223 = arith.mulf %get3A_222, %get3A_168 : vector<16xf32>
        %add3A_224 = arith.addf %scan3A_157, %mul3A_223 : vector<16xf32>
        %mul3A_225 = arith.constant 4 : i32
        %mul3A_226 = arith.muli %scan3A_149, %mul3A_225 : i32
        %add3A_227 = arith.constant 1 : i32
        %add3A_228 = arith.addi %mul3A_226, %add3A_227 : i32
        %mul3A_229 = arith.constant 16 : i32
        %mul3A_230 = arith.muli %add3A_228, %mul3A_229 : i32
        %mul3A_231 = arith.constant 2048 : i32
        %mul3A_232 = arith.muli %mul3A_108, %mul3A_231 : i32
        %add3A_233 = arith.addi %mul3A_232, %mul3A_230 : i32
        %get3A_234 = arith.index_cast %add3A_233 : i32 to index
        %get3A_235 = tpu.vector_load %arg5[%get3A_234] {strides = array<i32>} : memref<20480xf32, #tpu.memory_space<vmem>>, vector<16xf32>,
        %get3A_236 = vector.shape_cast %get3A_235 : vector<16xf32> to vector<16xf32>
        %get3A_237 = arith.constant 0 : i32
        %get3A_238 = arith.index_cast %get3A_237 : i32 to index
        %get3A_239 = arith.index_cast %mul3A_230 : i32 to index
        %get3A_240 = tpu.vector_load %arg6[%get3A_238, %get3A_239] {strides = array<i32>} : memref<8x2048xf32, #tpu.memory_space<vmem>>, vector<1x16xf32>,
        %get3A_241 = vector.shape_cast %get3A_240 : vector<1x16xf32> to vector<16xf32>
        %mul3A_242 = arith.mulf %get3A_241, %get3A_236 : vector<16xf32>
        %add3A_243 = arith.addf %add3A_175, %mul3A_242 : vector<16xf32>
        %get3A_244 = arith.constant 1 : i32
        %get3A_245 = arith.index_cast %get3A_244 : i32 to index
        %get3A_246 = arith.index_cast %mul3A_230 : i32 to index
        %get3A_247 = tpu.vector_load %arg6[%get3A_245, %get3A_246] {strides = array<i32>} : memref<8x2048xf32, #tpu.memory_space<vmem>>, vector<1x16xf32>,
        %get3A_248 = vector.shape_cast %get3A_247 : vector<1x16xf32> to vector<16xf32>
        %mul3A_249 = arith.mulf %get3A_248, %get3A_236 : vector<16xf32>
        %add3A_250 = arith.addf %add3A_182, %mul3A_249 : vector<16xf32>
        %get3A_251 = arith.constant 2 : i32
        %get3A_252 = arith.index_cast %get3A_251 : i32 to index
        %get3A_253 = arith.index_cast %mul3A_230 : i32 to index
        %get3A_254 = tpu.vector_load %arg6[%get3A_252, %get3A_253] {strides = array<i32>} : memref<8x2048xf32, #tpu.memory_space<vmem>>, vector<1x16xf32>,
        %get3A_255 = vector.shape_cast %get3A_254 : vector<1x16xf32> to vector<16xf32>
        %mul3A_256 = arith.mulf %get3A_255, %get3A_236 : vector<16xf32>
        %add3A_257 = arith.addf %add3A_189, %mul3A_256 : vector<16xf32>
        %get3A_258 = arith.constant 3 : i32
        %get3A_259 = arith.index_cast %get3A_258 : i32 to index
        %get3A_260 = arith.index_cast %mul3A_230 : i32 to index
        %get3A_261 = tpu.vector_load %arg6[%get3A_259, %get3A_260] {strides = array<i32>} : memref<8x2048xf32, #tpu.memory_space<vmem>>, vector<1x16xf32>,
        %get3A_262 = vector.shape_cast %get3A_261 : vector<1x16xf32> to vector<16xf32>
        %mul3A_263 = arith.mulf %get3A_262, %get3A_236 : vector<16xf32>
        %add3A_264 = arith.addf %add3A_196, %mul3A_263 : vector<16xf32>
        %get3A_265 = arith.constant 4 : i32
        %get3A_266 = arith.index_cast %get3A_265 : i32 to index
        %get3A_267 = arith.index_cast %mul3A_230 : i32 to index
        %get3A_268 = tpu.vector_load %arg6[%get3A_266, %get3A_267] {strides = array<i32>} : memref<8x2048xf32, #tpu.memory_space<vmem>>, vector<1x16xf32>,
        %get3A_269 = vector.shape_cast %get3A_268 : vector<1x16xf32> to vector<16xf32>
        %mul3A_270 = arith.mulf %get3A_269, %get3A_236 : vector<16xf32>
        %add3A_271 = arith.addf %add3A_203, %mul3A_270 : vector<16xf32>
        %get3A_272 = arith.constant 5 : i32
        %get3A_273 = arith.index_cast %get3A_272 : i32 to index
        %get3A_274 = arith.index_cast %mul3A_230 : i32 to index
        %get3A_275 = tpu.vector_load %arg6[%get3A_273, %get3A_274] {strides = array<i32>} : memref<8x2048xf32, #tpu.memory_space<vmem>>, vector<1x16xf32>,
        %get3A_276 = vector.shape_cast %get3A_275 : vector<1x16xf32> to vector<16xf32>
        %mul3A_277 = arith.mulf %get3A_276, %get3A_236 : vector<16xf32>
        %add3A_278 = arith.addf %add3A_210, %mul3A_277 : vector<16xf32>
        %get3A_279 = arith.constant 6 : i32
        %get3A_280 = arith.index_cast %get3A_279 : i32 to index
        %get3A_281 = arith.index_cast %mul3A_230 : i32 to index
        %get3A_282 = tpu.vector_load %arg6[%get3A_280, %get3A_281] {strides = array<i32>} : memref<8x2048xf32, #tpu.memory_space<vmem>>, vector<1x16xf32>,
        %get3A_283 = vector.shape_cast %get3A_282 : vector<1x16xf32> to vector<16xf32>
        %mul3A_284 = arith.mulf %get3A_283, %get3A_236 : vector<16xf32>
        %add3A_285 = arith.addf %add3A_217, %mul3A_284 : vector<16xf32>
        %get3A_286 = arith.constant 7 : i32
        %get3A_287 = arith.index_cast %get3A_286 : i32 to index
        %get3A_288 = arith.index_cast %mul3A_230 : i32 to index
        %get3A_289 = tpu.vector_load %arg6[%get3A_287, %get3A_288] {strides = array<i32>} : memref<8x2048xf32, #tpu.memory_space<vmem>>, vector<1x16xf32>,
        %get3A_290 = vector.shape_cast %get3A_289 : vector<1x16xf32> to vector<16xf32>
        %mul3A_291 = arith.mulf %get3A_290, %get3A_236 : vector<16xf32>
        %add3A_292 = arith.addf %add3A_224, %mul3A_291 : vector<16xf32>
        %mul3A_293 = arith.constant 4 : i32
        %mul3A_294 = arith.muli %scan3A_149, %mul3A_293 : i32
        %add3A_295 = arith.constant 2 : i32
        %add3A_296 = arith.addi %mul3A_294, %add3A_295 : i32
        %mul3A_297 = arith.constant 16 : i32
        %mul3A_298 = arith.muli %add3A_296, %mul3A_297 : i32
        %mul3A_299 = arith.constant 2048 : i32
        %mul3A_300 = arith.muli %mul3A_108, %mul3A_299 : i32
        %add3A_301 = arith.addi %mul3A_300, %mul3A_298 : i32
        %get3A_302 = arith.index_cast %add3A_301 : i32 to index
        %get3A_303 = tpu.vector_load %arg5[%get3A_302] {strides = array<i32>} : memref<20480xf32, #tpu.memory_space<vmem>>, vector<16xf32>,
        %get3A_304 = vector.shape_cast %get3A_303 : vector<16xf32> to vector<16xf32>
        %get3A_305 = arith.constant 0 : i32
        %get3A_306 = arith.index_cast %get3A_305 : i32 to index
        %get3A_307 = arith.index_cast %mul3A_298 : i32 to index
        %get3A_308 = tpu.vector_load %arg6[%get3A_306, %get3A_307] {strides = array<i32>} : memref<8x2048xf32, #tpu.memory_space<vmem>>, vector<1x16xf32>,
        %get3A_309 = vector.shape_cast %get3A_308 : vector<1x16xf32> to vector<16xf32>
        %mul3A_310 = arith.mulf %get3A_309, %get3A_304 : vector<16xf32>
        %add3A_311 = arith.addf %add3A_243, %mul3A_310 : vector<16xf32>
        %get3A_312 = arith.constant 1 : i32
        %get3A_313 = arith.index_cast %get3A_312 : i32 to index
        %get3A_314 = arith.index_cast %mul3A_298 : i32 to index
        %get3A_315 = tpu.vector_load %arg6[%get3A_313, %get3A_314] {strides = array<i32>} : memref<8x2048xf32, #tpu.memory_space<vmem>>, vector<1x16xf32>,
        %get3A_316 = vector.shape_cast %get3A_315 : vector<1x16xf32> to vector<16xf32>
        %mul3A_317 = arith.mulf %get3A_316, %get3A_304 : vector<16xf32>
        %add3A_318 = arith.addf %add3A_250, %mul3A_317 : vector<16xf32>
        %get3A_319 = arith.constant 2 : i32
        %get3A_320 = arith.index_cast %get3A_319 : i32 to index
        %get3A_321 = arith.index_cast %mul3A_298 : i32 to index
        %get3A_322 = tpu.vector_load %arg6[%get3A_320, %get3A_321] {strides = array<i32>} : memref<8x2048xf32, #tpu.memory_space<vmem>>, vector<1x16xf32>,
        %get3A_323 = vector.shape_cast %get3A_322 : vector<1x16xf32> to vector<16xf32>
        %mul3A_324 = arith.mulf %get3A_323, %get3A_304 : vector<16xf32>
        %add3A_325 = arith.addf %add3A_257, %mul3A_324 : vector<16xf32>
        %get3A_326 = arith.constant 3 : i32
        %get3A_327 = arith.index_cast %get3A_326 : i32 to index
        %get3A_328 = arith.index_cast %mul3A_298 : i32 to index
        %get3A_329 = tpu.vector_load %arg6[%get3A_327, %get3A_328] {strides = array<i32>} : memref<8x2048xf32, #tpu.memory_space<vmem>>, vector<1x16xf32>,
        %get3A_330 = vector.shape_cast %get3A_329 : vector<1x16xf32> to vector<16xf32>
        %mul3A_331 = arith.mulf %get3A_330, %get3A_304 : vector<16xf32>
        %add3A_332 = arith.addf %add3A_264, %mul3A_331 : vector<16xf32>
        %get3A_333 = arith.constant 4 : i32
        %get3A_334 = arith.index_cast %get3A_333 : i32 to index
        %get3A_335 = arith.index_cast %mul3A_298 : i32 to index
        %get3A_336 = tpu.vector_load %arg6[%get3A_334, %get3A_335] {strides = array<i32>} : memref<8x2048xf32, #tpu.memory_space<vmem>>, vector<1x16xf32>,
        %get3A_337 = vector.shape_cast %get3A_336 : vector<1x16xf32> to vector<16xf32>
        %mul3A_338 = arith.mulf %get3A_337, %get3A_304 : vector<16xf32>
        %add3A_339 = arith.addf %add3A_271, %mul3A_338 : vector<16xf32>
        %get3A_340 = arith.constant 5 : i32
        %get3A_341 = arith.index_cast %get3A_340 : i32 to index
        %get3A_342 = arith.index_cast %mul3A_298 : i32 to index
        %get3A_343 = tpu.vector_load %arg6[%get3A_341, %get3A_342] {strides = array<i32>} : memref<8x2048xf32, #tpu.memory_space<vmem>>, vector<1x16xf32>,
        %get3A_344 = vector.shape_cast %get3A_343 : vector<1x16xf32> to vector<16xf32>
        %mul3A_345 = arith.mulf %get3A_344, %get3A_304 : vector<16xf32>
        %add3A_346 = arith.addf %add3A_278, %mul3A_345 : vector<16xf32>
        %get3A_347 = arith.constant 6 : i32
        %get3A_348 = arith.index_cast %get3A_347 : i32 to index
        %get3A_349 = arith.index_cast %mul3A_298 : i32 to index
        %get3A_350 = tpu.vector_load %arg6[%get3A_348, %get3A_349] {strides = array<i32>} : memref<8x2048xf32, #tpu.memory_space<vmem>>, vector<1x16xf32>,
        %get3A_351 = vector.shape_cast %get3A_350 : vector<1x16xf32> to vector<16xf32>
        %mul3A_352 = arith.mulf %get3A_351, %get3A_304 : vector<16xf32>
        %add3A_353 = arith.addf %add3A_285, %mul3A_352 : vector<16xf32>
        %get3A_354 = arith.constant 7 : i32
        %get3A_355 = arith.index_cast %get3A_354 : i32 to index
        %get3A_356 = arith.index_cast %mul3A_298 : i32 to index
        %get3A_357 = tpu.vector_load %arg6[%get3A_355, %get3A_356] {strides = array<i32>} : memref<8x2048xf32, #tpu.memory_space<vmem>>, vector<1x16xf32>,
        %get3A_358 = vector.shape_cast %get3A_357 : vector<1x16xf32> to vector<16xf32>
        %mul3A_359 = arith.mulf %get3A_358, %get3A_304 : vector<16xf32>
        %add3A_360 = arith.addf %add3A_292, %mul3A_359 : vector<16xf32>
        %mul3A_361 = arith.constant 4 : i32
        %mul3A_362 = arith.muli %scan3A_149, %mul3A_361 : i32
        %add3A_363 = arith.constant 3 : i32
        %add3A_364 = arith.addi %mul3A_362, %add3A_363 : i32
        %mul3A_365 = arith.constant 16 : i32
        %mul3A_366 = arith.muli %add3A_364, %mul3A_365 : i32
        %mul3A_367 = arith.constant 2048 : i32
        %mul3A_368 = arith.muli %mul3A_108, %mul3A_367 : i32
        %add3A_369 = arith.addi %mul3A_368, %mul3A_366 : i32
        %get3A_370 = arith.index_cast %add3A_369 : i32 to index
        %get3A_371 = tpu.vector_load %arg5[%get3A_370] {strides = array<i32>} : memref<20480xf32, #tpu.memory_space<vmem>>, vector<16xf32>,
        %get3A_372 = vector.shape_cast %get3A_371 : vector<16xf32> to vector<16xf32>
        %get3A_373 = arith.constant 0 : i32
        %get3A_374 = arith.index_cast %get3A_373 : i32 to index
        %get3A_375 = arith.index_cast %mul3A_366 : i32 to index
        %get3A_376 = tpu.vector_load %arg6[%get3A_374, %get3A_375] {strides = array<i32>} : memref<8x2048xf32, #tpu.memory_space<vmem>>, vector<1x16xf32>,
        %get3A_377 = vector.shape_cast %get3A_376 : vector<1x16xf32> to vector<16xf32>
        %mul3A_378 = arith.mulf %get3A_377, %get3A_372 : vector<16xf32>
        %add3A_379 = arith.addf %add3A_311, %mul3A_378 : vector<16xf32>
        %get3A_380 = arith.constant 1 : i32
        %get3A_381 = arith.index_cast %get3A_380 : i32 to index
        %get3A_382 = arith.index_cast %mul3A_366 : i32 to index
        %get3A_383 = tpu.vector_load %arg6[%get3A_381, %get3A_382] {strides = array<i32>} : memref<8x2048xf32, #tpu.memory_space<vmem>>, vector<1x16xf32>,
        %get3A_384 = vector.shape_cast %get3A_383 : vector<1x16xf32> to vector<16xf32>
        %mul3A_385 = arith.mulf %get3A_384, %get3A_372 : vector<16xf32>
        %add3A_386 = arith.addf %add3A_318, %mul3A_385 : vector<16xf32>
        %get3A_387 = arith.constant 2 : i32
        %get3A_388 = arith.index_cast %get3A_387 : i32 to index
        %get3A_389 = arith.index_cast %mul3A_366 : i32 to index
        %get3A_390 = tpu.vector_load %arg6[%get3A_388, %get3A_389] {strides = array<i32>} : memref<8x2048xf32, #tpu.memory_space<vmem>>, vector<1x16xf32>,
        %get3A_391 = vector.shape_cast %get3A_390 : vector<1x16xf32> to vector<16xf32>
        %mul3A_392 = arith.mulf %get3A_391, %get3A_372 : vector<16xf32>
        %add3A_393 = arith.addf %add3A_325, %mul3A_392 : vector<16xf32>
        %get3A_394 = arith.constant 3 : i32
        %get3A_395 = arith.index_cast %get3A_394 : i32 to index
        %get3A_396 = arith.index_cast %mul3A_366 : i32 to index
        %get3A_397 = tpu.vector_load %arg6[%get3A_395, %get3A_396] {strides = array<i32>} : memref<8x2048xf32, #tpu.memory_space<vmem>>, vector<1x16xf32>,
        %get3A_398 = vector.shape_cast %get3A_397 : vector<1x16xf32> to vector<16xf32>
        %mul3A_399 = arith.mulf %get3A_398, %get3A_372 : vector<16xf32>
        %add3A_400 = arith.addf %add3A_332, %mul3A_399 : vector<16xf32>
        %get3A_401 = arith.constant 4 : i32
        %get3A_402 = arith.index_cast %get3A_401 : i32 to index
        %get3A_403 = arith.index_cast %mul3A_366 : i32 to index
        %get3A_404 = tpu.vector_load %arg6[%get3A_402, %get3A_403] {strides = array<i32>} : memref<8x2048xf32, #tpu.memory_space<vmem>>, vector<1x16xf32>,
        %get3A_405 = vector.shape_cast %get3A_404 : vector<1x16xf32> to vector<16xf32>
        %mul3A_406 = arith.mulf %get3A_405, %get3A_372 : vector<16xf32>
        %add3A_407 = arith.addf %add3A_339, %mul3A_406 : vector<16xf32>
        %get3A_408 = arith.constant 5 : i32
        %get3A_409 = arith.index_cast %get3A_408 : i32 to index
        %get3A_410 = arith.index_cast %mul3A_366 : i32 to index
        %get3A_411 = tpu.vector_load %arg6[%get3A_409, %get3A_410] {strides = array<i32>} : memref<8x2048xf32, #tpu.memory_space<vmem>>, vector<1x16xf32>,
        %get3A_412 = vector.shape_cast %get3A_411 : vector<1x16xf32> to vector<16xf32>
        %mul3A_413 = arith.mulf %get3A_412, %get3A_372 : vector<16xf32>
        %add3A_414 = arith.addf %add3A_346, %mul3A_413 : vector<16xf32>
        %get3A_415 = arith.constant 6 : i32
        %get3A_416 = arith.index_cast %get3A_415 : i32 to index
        %get3A_417 = arith.index_cast %mul3A_366 : i32 to index
        %get3A_418 = tpu.vector_load %arg6[%get3A_416, %get3A_417] {strides = array<i32>} : memref<8x2048xf32, #tpu.memory_space<vmem>>, vector<1x16xf32>,
        %get3A_419 = vector.shape_cast %get3A_418 : vector<1x16xf32> to vector<16xf32>
        %mul3A_420 = arith.mulf %get3A_419, %get3A_372 : vector<16xf32>
        %add3A_421 = arith.addf %add3A_353, %mul3A_420 : vector<16xf32>
        %get3A_422 = arith.constant 7 : i32
        %get3A_423 = arith.index_cast %get3A_422 : i32 to index
        %get3A_424 = arith.index_cast %mul3A_366 : i32 to index
        %get3A_425 = tpu.vector_load %arg6[%get3A_423, %get3A_424] {strides = array<i32>} : memref<8x2048xf32, #tpu.memory_space<vmem>>, vector<1x16xf32>,
        %get3A_426 = vector.shape_cast %get3A_425 : vector<1x16xf32> to vector<16xf32>
        %mul3A_427 = arith.mulf %get3A_426, %get3A_372 : vector<16xf32>
        %add3A_428 = arith.addf %add3A_360, %mul3A_427 : vector<16xf32>
        scf.yield %add3A_379, %add3A_386, %add3A_393, %add3A_400, %add3A_407, %add3A_414, %add3A_421, %add3A_428 : vector<16xf32>, vector<16xf32>, vector<16xf32>, vector<16xf32>, vector<16xf32>, vector<16xf32>, vector<16xf32>, vector<16xf32>
      }
      %scan3A_126 = arith.constant 32 : i32
      %dma_wait3A_127 = arith.constant 0 : i32
      %dma_wait3A_128 = tpu.memref_slice %arg2[%min3A_19, %dma_wait3A_127] : memref<1000x65536xf32, #tpu.memory_space<hbm>> -> memref<8x2048xf32, #tpu.memory_space<hbm>>
      %dma_wait3A_129 = arith.constant 0 : i32
      %dma_wait3A_130 = tpu.memref_slice %arg2[%min3A_19, %dma_wait3A_129] : memref<1000x65536xf32, #tpu.memory_space<hbm>> -> memref<8x2048xf32, #tpu.memory_space<hbm>>
      tpu.wait_dma2 semaphore(%arg10 : memref<!tpu.dma_semaphore, #tpu.memory_space<semaphore_mem>>) src(%dma_wait3A_130 : memref<8x2048xf32, #tpu.memory_space<hbm>>) dst(%arg7 : memref<8x2048xf32, #tpu.memory_space<vmem>>)
      %add3A_131 = arith.constant 2 : i32
      %add3A_132 = arith.addi %mul3A_108, %add3A_131 : i32
      %lt3A = arith.constant 10 : i32
      %lt3A_133 = arith.cmpi slt, %add3A_132, %lt3A : i32
      %convert_element_type3A = arith.extui %lt3A_133 : i1 to i32
      %cond3A = arith.constant 0 : i32
      %cond3A_134 = arith.cmpi ne, %convert_element_type3A, %cond3A : i32
      scf.if %cond3A_134 {
        %add3A_149 = arith.constant 2 : i32
        %add3A_150 = arith.addi %mul3A_108, %add3A_149 : i32
        %mul3A_151 = arith.constant 2048 : i32
        %mul3A_152 = arith.muli %add3A_150, %mul3A_151 : i32
        %add3A_153 = arith.constant 45056 : i32
        %add3A_154 = arith.addi %add3A_153, %mul3A_152 : i32
        %dma_start3A_155 = tpu.memref_slice %arg2[%min3A_19, %add3A_154] : memref<1000x65536xf32, #tpu.memory_space<hbm>> -> memref<8x2048xf32, #tpu.memory_space<hbm>>
        %dma_start3A_156 = tpu.memref_slice %arg2[%min3A_19, %add3A_154] : memref<1000x65536xf32, #tpu.memory_space<hbm>> -> memref<8x2048xf32, #tpu.memory_space<hbm>>
        tpu.enqueue_dma source(%dma_start3A_156 : memref<8x2048xf32, #tpu.memory_space<hbm>>) target(%arg6 : memref<8x2048xf32, #tpu.memory_space<vmem>>) target_semaphore(%arg9 : memref<!tpu.dma_semaphore, #tpu.memory_space<semaphore_mem>>)
      } else {
      }
      %add3A_135 = arith.constant 2 : i32
      %add3A_136 = arith.addi %mul3A_108, %add3A_135 : i32
      %ge3A = arith.constant 10 : i32
      %ge3A_137 = arith.cmpi sge, %add3A_136, %ge3A : i32
      %convert_element_type3A_138 = arith.extui %ge3A_137 : i1 to i32
      %cond3A_139 = arith.constant 0 : i32
      %cond3A_140 = arith.cmpi ne, %convert_element_type3A_138, %cond3A_139 : i32
      scf.if %cond3A_140 {
        %dma_start3A_149 = arith.constant 45056 : i32
        %dma_start3A_150 = tpu.memref_slice %arg2[%min3A_23, %dma_start3A_149] : memref<1000x65536xf32, #tpu.memory_space<hbm>> -> memref<8x2048xf32, #tpu.memory_space<hbm>>
        %dma_start3A_151 = arith.constant 45056 : i32
        %dma_start3A_152 = tpu.memref_slice %arg2[%min3A_23, %dma_start3A_151] : memref<1000x65536xf32, #tpu.memory_space<hbm>> -> memref<8x2048xf32, #tpu.memory_space<hbm>>
        tpu.enqueue_dma source(%dma_start3A_152 : memref<8x2048xf32, #tpu.memory_space<hbm>>) target(%arg6 : memref<8x2048xf32, #tpu.memory_space<vmem>>) target_semaphore(%arg9 : memref<!tpu.dma_semaphore, #tpu.memory_space<semaphore_mem>>)
      } else {
      }
      %add3A_141 = arith.constant 1 : i32
      %add3A_142 = arith.addi %mul3A_108, %add3A_141 : i32
      %scan3A_143 = arith.constant 0 : i32
      %scan3A_144 = arith.constant 32 : i32
      %scan3A_145 = arith.addi %scan3A_143, %scan3A_144 : i32
      %scan3A_146 = arith.constant 1 : i32
      %scan3A_147:8 = scf.for %scan3A_149 = %scan3A_143 to %scan3A_145 step %scan3A_146 iter_args(%scan3A_150 = %scan3A_125#0, %scan3A_151 = %scan3A_125#1, %scan3A_152 = %scan3A_125#2, %scan3A_153 = %scan3A_125#3, %scan3A_154 = %scan3A_125#4, %scan3A_155 = %scan3A_125#5, %scan3A_156 = %scan3A_125#6, %scan3A_157 = %scan3A_125#7) -> (vector<16xf32>, vector<16xf32>, vector<16xf32>, vector<16xf32>, vector<16xf32>, vector<16xf32>, vector<16xf32>, vector<16xf32>)  : i32 {
        %mul3A_158 = arith.constant 4 : i32
        %mul3A_159 = arith.muli %scan3A_149, %mul3A_158 : i32
        %add3A_160 = arith.constant 0 : i32
        %add3A_161 = arith.addi %mul3A_159, %add3A_160 : i32
        %mul3A_162 = arith.constant 16 : i32
        %mul3A_163 = arith.muli %add3A_161, %mul3A_162 : i32
        %mul3A_164 = arith.constant 2048 : i32
        %mul3A_165 = arith.muli %add3A_142, %mul3A_164 : i32
        %add3A_166 = arith.addi %mul3A_165, %mul3A_163 : i32
        %get3A = arith.index_cast %add3A_166 : i32 to index
        %get3A_167 = tpu.vector_load %arg5[%get3A] {strides = array<i32>} : memref<20480xf32, #tpu.memory_space<vmem>>, vector<16xf32>,
        %get3A_168 = vector.shape_cast %get3A_167 : vector<16xf32> to vector<16xf32>
        %get3A_169 = arith.constant 0 : i32
        %get3A_170 = arith.index_cast %get3A_169 : i32 to index
        %get3A_171 = arith.index_cast %mul3A_163 : i32 to index
        %get3A_172 = tpu.vector_load %arg7[%get3A_170, %get3A_171] {strides = array<i32>} : memref<8x2048xf32, #tpu.memory_space<vmem>>, vector<1x16xf32>,
        %get3A_173 = vector.shape_cast %get3A_172 : vector<1x16xf32> to vector<16xf32>
        %mul3A_174 = arith.mulf %get3A_173, %get3A_168 : vector<16xf32>
        %add3A_175 = arith.addf %scan3A_150, %mul3A_174 : vector<16xf32>
        %get3A_176 = arith.constant 1 : i32
        %get3A_177 = arith.index_cast %get3A_176 : i32 to index
        %get3A_178 = arith.index_cast %mul3A_163 : i32 to index
        %get3A_179 = tpu.vector_load %arg7[%get3A_177, %get3A_178] {strides = array<i32>} : memref<8x2048xf32, #tpu.memory_space<vmem>>, vector<1x16xf32>,
        %get3A_180 = vector.shape_cast %get3A_179 : vector<1x16xf32> to vector<16xf32>
        %mul3A_181 = arith.mulf %get3A_180, %get3A_168 : vector<16xf32>
        %add3A_182 = arith.addf %scan3A_151, %mul3A_181 : vector<16xf32>
        %get3A_183 = arith.constant 2 : i32
        %get3A_184 = arith.index_cast %get3A_183 : i32 to index
        %get3A_185 = arith.index_cast %mul3A_163 : i32 to index
        %get3A_186 = tpu.vector_load %arg7[%get3A_184, %get3A_185] {strides = array<i32>} : memref<8x2048xf32, #tpu.memory_space<vmem>>, vector<1x16xf32>,
        %get3A_187 = vector.shape_cast %get3A_186 : vector<1x16xf32> to vector<16xf32>
        %mul3A_188 = arith.mulf %get3A_187, %get3A_168 : vector<16xf32>
        %add3A_189 = arith.addf %scan3A_152, %mul3A_188 : vector<16xf32>
        %get3A_190 = arith.constant 3 : i32
        %get3A_191 = arith.index_cast %get3A_190 : i32 to index
        %get3A_192 = arith.index_cast %mul3A_163 : i32 to index
        %get3A_193 = tpu.vector_load %arg7[%get3A_191, %get3A_192] {strides = array<i32>} : memref<8x2048xf32, #tpu.memory_space<vmem>>, vector<1x16xf32>,
        %get3A_194 = vector.shape_cast %get3A_193 : vector<1x16xf32> to vector<16xf32>
        %mul3A_195 = arith.mulf %get3A_194, %get3A_168 : vector<16xf32>
        %add3A_196 = arith.addf %scan3A_153, %mul3A_195 : vector<16xf32>
        %get3A_197 = arith.constant 4 : i32
        %get3A_198 = arith.index_cast %get3A_197 : i32 to index
        %get3A_199 = arith.index_cast %mul3A_163 : i32 to index
        %get3A_200 = tpu.vector_load %arg7[%get3A_198, %get3A_199] {strides = array<i32>} : memref<8x2048xf32, #tpu.memory_space<vmem>>, vector<1x16xf32>,
        %get3A_201 = vector.shape_cast %get3A_200 : vector<1x16xf32> to vector<16xf32>
        %mul3A_202 = arith.mulf %get3A_201, %get3A_168 : vector<16xf32>
        %add3A_203 = arith.addf %scan3A_154, %mul3A_202 : vector<16xf32>
        %get3A_204 = arith.constant 5 : i32
        %get3A_205 = arith.index_cast %get3A_204 : i32 to index
        %get3A_206 = arith.index_cast %mul3A_163 : i32 to index
        %get3A_207 = tpu.vector_load %arg7[%get3A_205, %get3A_206] {strides = array<i32>} : memref<8x2048xf32, #tpu.memory_space<vmem>>, vector<1x16xf32>,
        %get3A_208 = vector.shape_cast %get3A_207 : vector<1x16xf32> to vector<16xf32>
        %mul3A_209 = arith.mulf %get3A_208, %get3A_168 : vector<16xf32>
        %add3A_210 = arith.addf %scan3A_155, %mul3A_209 : vector<16xf32>
        %get3A_211 = arith.constant 6 : i32
        %get3A_212 = arith.index_cast %get3A_211 : i32 to index
        %get3A_213 = arith.index_cast %mul3A_163 : i32 to index
        %get3A_214 = tpu.vector_load %arg7[%get3A_212, %get3A_213] {strides = array<i32>} : memref<8x2048xf32, #tpu.memory_space<vmem>>, vector<1x16xf32>,
        %get3A_215 = vector.shape_cast %get3A_214 : vector<1x16xf32> to vector<16xf32>
        %mul3A_216 = arith.mulf %get3A_215, %get3A_168 : vector<16xf32>
        %add3A_217 = arith.addf %scan3A_156, %mul3A_216 : vector<16xf32>
        %get3A_218 = arith.constant 7 : i32
        %get3A_219 = arith.index_cast %get3A_218 : i32 to index
        %get3A_220 = arith.index_cast %mul3A_163 : i32 to index
        %get3A_221 = tpu.vector_load %arg7[%get3A_219, %get3A_220] {strides = array<i32>} : memref<8x2048xf32, #tpu.memory_space<vmem>>, vector<1x16xf32>,
        %get3A_222 = vector.shape_cast %get3A_221 : vector<1x16xf32> to vector<16xf32>
        %mul3A_223 = arith.mulf %get3A_222, %get3A_168 : vector<16xf32>
        %add3A_224 = arith.addf %scan3A_157, %mul3A_223 : vector<16xf32>
        %mul3A_225 = arith.constant 4 : i32
        %mul3A_226 = arith.muli %scan3A_149, %mul3A_225 : i32
        %add3A_227 = arith.constant 1 : i32
        %add3A_228 = arith.addi %mul3A_226, %add3A_227 : i32
        %mul3A_229 = arith.constant 16 : i32
        %mul3A_230 = arith.muli %add3A_228, %mul3A_229 : i32
        %mul3A_231 = arith.constant 2048 : i32
        %mul3A_232 = arith.muli %add3A_142, %mul3A_231 : i32
        %add3A_233 = arith.addi %mul3A_232, %mul3A_230 : i32
        %get3A_234 = arith.index_cast %add3A_233 : i32 to index
        %get3A_235 = tpu.vector_load %arg5[%get3A_234] {strides = array<i32>} : memref<20480xf32, #tpu.memory_space<vmem>>, vector<16xf32>,
        %get3A_236 = vector.shape_cast %get3A_235 : vector<16xf32> to vector<16xf32>
        %get3A_237 = arith.constant 0 : i32
        %get3A_238 = arith.index_cast %get3A_237 : i32 to index
        %get3A_239 = arith.index_cast %mul3A_230 : i32 to index
        %get3A_240 = tpu.vector_load %arg7[%get3A_238, %get3A_239] {strides = array<i32>} : memref<8x2048xf32, #tpu.memory_space<vmem>>, vector<1x16xf32>,
        %get3A_241 = vector.shape_cast %get3A_240 : vector<1x16xf32> to vector<16xf32>
        %mul3A_242 = arith.mulf %get3A_241, %get3A_236 : vector<16xf32>
        %add3A_243 = arith.addf %add3A_175, %mul3A_242 : vector<16xf32>
        %get3A_244 = arith.constant 1 : i32
        %get3A_245 = arith.index_cast %get3A_244 : i32 to index
        %get3A_246 = arith.index_cast %mul3A_230 : i32 to index
        %get3A_247 = tpu.vector_load %arg7[%get3A_245, %get3A_246] {strides = array<i32>} : memref<8x2048xf32, #tpu.memory_space<vmem>>, vector<1x16xf32>,
        %get3A_248 = vector.shape_cast %get3A_247 : vector<1x16xf32> to vector<16xf32>
        %mul3A_249 = arith.mulf %get3A_248, %get3A_236 : vector<16xf32>
        %add3A_250 = arith.addf %add3A_182, %mul3A_249 : vector<16xf32>
        %get3A_251 = arith.constant 2 : i32
        %get3A_252 = arith.index_cast %get3A_251 : i32 to index
        %get3A_253 = arith.index_cast %mul3A_230 : i32 to index
        %get3A_254 = tpu.vector_load %arg7[%get3A_252, %get3A_253] {strides = array<i32>} : memref<8x2048xf32, #tpu.memory_space<vmem>>, vector<1x16xf32>,
        %get3A_255 = vector.shape_cast %get3A_254 : vector<1x16xf32> to vector<16xf32>
        %mul3A_256 = arith.mulf %get3A_255, %get3A_236 : vector<16xf32>
        %add3A_257 = arith.addf %add3A_189, %mul3A_256 : vector<16xf32>
        %get3A_258 = arith.constant 3 : i32
        %get3A_259 = arith.index_cast %get3A_258 : i32 to index
        %get3A_260 = arith.index_cast %mul3A_230 : i32 to index
        %get3A_261 = tpu.vector_load %arg7[%get3A_259, %get3A_260] {strides = array<i32>} : memref<8x2048xf32, #tpu.memory_space<vmem>>, vector<1x16xf32>,
        %get3A_262 = vector.shape_cast %get3A_261 : vector<1x16xf32> to vector<16xf32>
        %mul3A_263 = arith.mulf %get3A_262, %get3A_236 : vector<16xf32>
        %add3A_264 = arith.addf %add3A_196, %mul3A_263 : vector<16xf32>
        %get3A_265 = arith.constant 4 : i32
        %get3A_266 = arith.index_cast %get3A_265 : i32 to index
        %get3A_267 = arith.index_cast %mul3A_230 : i32 to index
        %get3A_268 = tpu.vector_load %arg7[%get3A_266, %get3A_267] {strides = array<i32>} : memref<8x2048xf32, #tpu.memory_space<vmem>>, vector<1x16xf32>,
        %get3A_269 = vector.shape_cast %get3A_268 : vector<1x16xf32> to vector<16xf32>
        %mul3A_270 = arith.mulf %get3A_269, %get3A_236 : vector<16xf32>
        %add3A_271 = arith.addf %add3A_203, %mul3A_270 : vector<16xf32>
        %get3A_272 = arith.constant 5 : i32
        %get3A_273 = arith.index_cast %get3A_272 : i32 to index
        %get3A_274 = arith.index_cast %mul3A_230 : i32 to index
        %get3A_275 = tpu.vector_load %arg7[%get3A_273, %get3A_274] {strides = array<i32>} : memref<8x2048xf32, #tpu.memory_space<vmem>>, vector<1x16xf32>,
        %get3A_276 = vector.shape_cast %get3A_275 : vector<1x16xf32> to vector<16xf32>
        %mul3A_277 = arith.mulf %get3A_276, %get3A_236 : vector<16xf32>
        %add3A_278 = arith.addf %add3A_210, %mul3A_277 : vector<16xf32>
        %get3A_279 = arith.constant 6 : i32
        %get3A_280 = arith.index_cast %get3A_279 : i32 to index
        %get3A_281 = arith.index_cast %mul3A_230 : i32 to index
        %get3A_282 = tpu.vector_load %arg7[%get3A_280, %get3A_281] {strides = array<i32>} : memref<8x2048xf32, #tpu.memory_space<vmem>>, vector<1x16xf32>,
        %get3A_283 = vector.shape_cast %get3A_282 : vector<1x16xf32> to vector<16xf32>
        %mul3A_284 = arith.mulf %get3A_283, %get3A_236 : vector<16xf32>
        %add3A_285 = arith.addf %add3A_217, %mul3A_284 : vector<16xf32>
        %get3A_286 = arith.constant 7 : i32
        %get3A_287 = arith.index_cast %get3A_286 : i32 to index
        %get3A_288 = arith.index_cast %mul3A_230 : i32 to index
        %get3A_289 = tpu.vector_load %arg7[%get3A_287, %get3A_288] {strides = array<i32>} : memref<8x2048xf32, #tpu.memory_space<vmem>>, vector<1x16xf32>,
        %get3A_290 = vector.shape_cast %get3A_289 : vector<1x16xf32> to vector<16xf32>
        %mul3A_291 = arith.mulf %get3A_290, %get3A_236 : vector<16xf32>
        %add3A_292 = arith.addf %add3A_224, %mul3A_291 : vector<16xf32>
        %mul3A_293 = arith.constant 4 : i32
        %mul3A_294 = arith.muli %scan3A_149, %mul3A_293 : i32
        %add3A_295 = arith.constant 2 : i32
        %add3A_296 = arith.addi %mul3A_294, %add3A_295 : i32
        %mul3A_297 = arith.constant 16 : i32
        %mul3A_298 = arith.muli %add3A_296, %mul3A_297 : i32
        %mul3A_299 = arith.constant 2048 : i32
        %mul3A_300 = arith.muli %add3A_142, %mul3A_299 : i32
        %add3A_301 = arith.addi %mul3A_300, %mul3A_298 : i32
        %get3A_302 = arith.index_cast %add3A_301 : i32 to index
        %get3A_303 = tpu.vector_load %arg5[%get3A_302] {strides = array<i32>} : memref<20480xf32, #tpu.memory_space<vmem>>, vector<16xf32>,
        %get3A_304 = vector.shape_cast %get3A_303 : vector<16xf32> to vector<16xf32>
        %get3A_305 = arith.constant 0 : i32
        %get3A_306 = arith.index_cast %get3A_305 : i32 to index
        %get3A_307 = arith.index_cast %mul3A_298 : i32 to index
        %get3A_308 = tpu.vector_load %arg7[%get3A_306, %get3A_307] {strides = array<i32>} : memref<8x2048xf32, #tpu.memory_space<vmem>>, vector<1x16xf32>,
        %get3A_309 = vector.shape_cast %get3A_308 : vector<1x16xf32> to vector<16xf32>
        %mul3A_310 = arith.mulf %get3A_309, %get3A_304 : vector<16xf32>
        %add3A_311 = arith.addf %add3A_243, %mul3A_310 : vector<16xf32>
        %get3A_312 = arith.constant 1 : i32
        %get3A_313 = arith.index_cast %get3A_312 : i32 to index
        %get3A_314 = arith.index_cast %mul3A_298 : i32 to index
        %get3A_315 = tpu.vector_load %arg7[%get3A_313, %get3A_314] {strides = array<i32>} : memref<8x2048xf32, #tpu.memory_space<vmem>>, vector<1x16xf32>,
        %get3A_316 = vector.shape_cast %get3A_315 : vector<1x16xf32> to vector<16xf32>
        %mul3A_317 = arith.mulf %get3A_316, %get3A_304 : vector<16xf32>
        %add3A_318 = arith.addf %add3A_250, %mul3A_317 : vector<16xf32>
        %get3A_319 = arith.constant 2 : i32
        %get3A_320 = arith.index_cast %get3A_319 : i32 to index
        %get3A_321 = arith.index_cast %mul3A_298 : i32 to index
        %get3A_322 = tpu.vector_load %arg7[%get3A_320, %get3A_321] {strides = array<i32>} : memref<8x2048xf32, #tpu.memory_space<vmem>>, vector<1x16xf32>,
        %get3A_323 = vector.shape_cast %get3A_322 : vector<1x16xf32> to vector<16xf32>
        %mul3A_324 = arith.mulf %get3A_323, %get3A_304 : vector<16xf32>
        %add3A_325 = arith.addf %add3A_257, %mul3A_324 : vector<16xf32>
        %get3A_326 = arith.constant 3 : i32
        %get3A_327 = arith.index_cast %get3A_326 : i32 to index
        %get3A_328 = arith.index_cast %mul3A_298 : i32 to index
        %get3A_329 = tpu.vector_load %arg7[%get3A_327, %get3A_328] {strides = array<i32>} : memref<8x2048xf32, #tpu.memory_space<vmem>>, vector<1x16xf32>,
        %get3A_330 = vector.shape_cast %get3A_329 : vector<1x16xf32> to vector<16xf32>
        %mul3A_331 = arith.mulf %get3A_330, %get3A_304 : vector<16xf32>
        %add3A_332 = arith.addf %add3A_264, %mul3A_331 : vector<16xf32>
        %get3A_333 = arith.constant 4 : i32
        %get3A_334 = arith.index_cast %get3A_333 : i32 to index
        %get3A_335 = arith.index_cast %mul3A_298 : i32 to index
        %get3A_336 = tpu.vector_load %arg7[%get3A_334, %get3A_335] {strides = array<i32>} : memref<8x2048xf32, #tpu.memory_space<vmem>>, vector<1x16xf32>,
        %get3A_337 = vector.shape_cast %get3A_336 : vector<1x16xf32> to vector<16xf32>
        %mul3A_338 = arith.mulf %get3A_337, %get3A_304 : vector<16xf32>
        %add3A_339 = arith.addf %add3A_271, %mul3A_338 : vector<16xf32>
        %get3A_340 = arith.constant 5 : i32
        %get3A_341 = arith.index_cast %get3A_340 : i32 to index
        %get3A_342 = arith.index_cast %mul3A_298 : i32 to index
        %get3A_343 = tpu.vector_load %arg7[%get3A_341, %get3A_342] {strides = array<i32>} : memref<8x2048xf32, #tpu.memory_space<vmem>>, vector<1x16xf32>,
        %get3A_344 = vector.shape_cast %get3A_343 : vector<1x16xf32> to vector<16xf32>
        %mul3A_345 = arith.mulf %get3A_344, %get3A_304 : vector<16xf32>
        %add3A_346 = arith.addf %add3A_278, %mul3A_345 : vector<16xf32>
        %get3A_347 = arith.constant 6 : i32
        %get3A_348 = arith.index_cast %get3A_347 : i32 to index
        %get3A_349 = arith.index_cast %mul3A_298 : i32 to index
        %get3A_350 = tpu.vector_load %arg7[%get3A_348, %get3A_349] {strides = array<i32>} : memref<8x2048xf32, #tpu.memory_space<vmem>>, vector<1x16xf32>,
        %get3A_351 = vector.shape_cast %get3A_350 : vector<1x16xf32> to vector<16xf32>
        %mul3A_352 = arith.mulf %get3A_351, %get3A_304 : vector<16xf32>
        %add3A_353 = arith.addf %add3A_285, %mul3A_352 : vector<16xf32>
        %get3A_354 = arith.constant 7 : i32
        %get3A_355 = arith.index_cast %get3A_354 : i32 to index
        %get3A_356 = arith.index_cast %mul3A_298 : i32 to index
        %get3A_357 = tpu.vector_load %arg7[%get3A_355, %get3A_356] {strides = array<i32>} : memref<8x2048xf32, #tpu.memory_space<vmem>>, vector<1x16xf32>,
        %get3A_358 = vector.shape_cast %get3A_357 : vector<1x16xf32> to vector<16xf32>
        %mul3A_359 = arith.mulf %get3A_358, %get3A_304 : vector<16xf32>
        %add3A_360 = arith.addf %add3A_292, %mul3A_359 : vector<16xf32>
        %mul3A_361 = arith.constant 4 : i32
        %mul3A_362 = arith.muli %scan3A_149, %mul3A_361 : i32
        %add3A_363 = arith.constant 3 : i32
        %add3A_364 = arith.addi %mul3A_362, %add3A_363 : i32
        %mul3A_365 = arith.constant 16 : i32
        %mul3A_366 = arith.muli %add3A_364, %mul3A_365 : i32
        %mul3A_367 = arith.constant 2048 : i32
        %mul3A_368 = arith.muli %add3A_142, %mul3A_367 : i32
        %add3A_369 = arith.addi %mul3A_368, %mul3A_366 : i32
        %get3A_370 = arith.index_cast %add3A_369 : i32 to index
        %get3A_371 = tpu.vector_load %arg5[%get3A_370] {strides = array<i32>} : memref<20480xf32, #tpu.memory_space<vmem>>, vector<16xf32>,
        %get3A_372 = vector.shape_cast %get3A_371 : vector<16xf32> to vector<16xf32>
        %get3A_373 = arith.constant 0 : i32
        %get3A_374 = arith.index_cast %get3A_373 : i32 to index
        %get3A_375 = arith.index_cast %mul3A_366 : i32 to index
        %get3A_376 = tpu.vector_load %arg7[%get3A_374, %get3A_375] {strides = array<i32>} : memref<8x2048xf32, #tpu.memory_space<vmem>>, vector<1x16xf32>,
        %get3A_377 = vector.shape_cast %get3A_376 : vector<1x16xf32> to vector<16xf32>
        %mul3A_378 = arith.mulf %get3A_377, %get3A_372 : vector<16xf32>
        %add3A_379 = arith.addf %add3A_311, %mul3A_378 : vector<16xf32>
        %get3A_380 = arith.constant 1 : i32
        %get3A_381 = arith.index_cast %get3A_380 : i32 to index
        %get3A_382 = arith.index_cast %mul3A_366 : i32 to index
        %get3A_383 = tpu.vector_load %arg7[%get3A_381, %get3A_382] {strides = array<i32>} : memref<8x2048xf32, #tpu.memory_space<vmem>>, vector<1x16xf32>,
        %get3A_384 = vector.shape_cast %get3A_383 : vector<1x16xf32> to vector<16xf32>
        %mul3A_385 = arith.mulf %get3A_384, %get3A_372 : vector<16xf32>
        %add3A_386 = arith.addf %add3A_318, %mul3A_385 : vector<16xf32>
        %get3A_387 = arith.constant 2 : i32
        %get3A_388 = arith.index_cast %get3A_387 : i32 to index
        %get3A_389 = arith.index_cast %mul3A_366 : i32 to index
        %get3A_390 = tpu.vector_load %arg7[%get3A_388, %get3A_389] {strides = array<i32>} : memref<8x2048xf32, #tpu.memory_space<vmem>>, vector<1x16xf32>,
        %get3A_391 = vector.shape_cast %get3A_390 : vector<1x16xf32> to vector<16xf32>
        %mul3A_392 = arith.mulf %get3A_391, %get3A_372 : vector<16xf32>
        %add3A_393 = arith.addf %add3A_325, %mul3A_392 : vector<16xf32>
        %get3A_394 = arith.constant 3 : i32
        %get3A_395 = arith.index_cast %get3A_394 : i32 to index
        %get3A_396 = arith.index_cast %mul3A_366 : i32 to index
        %get3A_397 = tpu.vector_load %arg7[%get3A_395, %get3A_396] {strides = array<i32>} : memref<8x2048xf32, #tpu.memory_space<vmem>>, vector<1x16xf32>,
        %get3A_398 = vector.shape_cast %get3A_397 : vector<1x16xf32> to vector<16xf32>
        %mul3A_399 = arith.mulf %get3A_398, %get3A_372 : vector<16xf32>
        %add3A_400 = arith.addf %add3A_332, %mul3A_399 : vector<16xf32>
        %get3A_401 = arith.constant 4 : i32
        %get3A_402 = arith.index_cast %get3A_401 : i32 to index
        %get3A_403 = arith.index_cast %mul3A_366 : i32 to index
        %get3A_404 = tpu.vector_load %arg7[%get3A_402, %get3A_403] {strides = array<i32>} : memref<8x2048xf32, #tpu.memory_space<vmem>>, vector<1x16xf32>,
        %get3A_405 = vector.shape_cast %get3A_404 : vector<1x16xf32> to vector<16xf32>
        %mul3A_406 = arith.mulf %get3A_405, %get3A_372 : vector<16xf32>
        %add3A_407 = arith.addf %add3A_339, %mul3A_406 : vector<16xf32>
        %get3A_408 = arith.constant 5 : i32
        %get3A_409 = arith.index_cast %get3A_408 : i32 to index
        %get3A_410 = arith.index_cast %mul3A_366 : i32 to index
        %get3A_411 = tpu.vector_load %arg7[%get3A_409, %get3A_410] {strides = array<i32>} : memref<8x2048xf32, #tpu.memory_space<vmem>>, vector<1x16xf32>,
        %get3A_412 = vector.shape_cast %get3A_411 : vector<1x16xf32> to vector<16xf32>
        %mul3A_413 = arith.mulf %get3A_412, %get3A_372 : vector<16xf32>
        %add3A_414 = arith.addf %add3A_346, %mul3A_413 : vector<16xf32>
        %get3A_415 = arith.constant 6 : i32
        %get3A_416 = arith.index_cast %get3A_415 : i32 to index
        %get3A_417 = arith.index_cast %mul3A_366 : i32 to index
        %get3A_418 = tpu.vector_load %arg7[%get3A_416, %get3A_417] {strides = array<i32>} : memref<8x2048xf32, #tpu.memory_space<vmem>>, vector<1x16xf32>,
        %get3A_419 = vector.shape_cast %get3A_418 : vector<1x16xf32> to vector<16xf32>
        %mul3A_420 = arith.mulf %get3A_419, %get3A_372 : vector<16xf32>
        %add3A_421 = arith.addf %add3A_353, %mul3A_420 : vector<16xf32>
        %get3A_422 = arith.constant 7 : i32
        %get3A_423 = arith.index_cast %get3A_422 : i32 to index
        %get3A_424 = arith.index_cast %mul3A_366 : i32 to index
        %get3A_425 = tpu.vector_load %arg7[%get3A_423, %get3A_424] {strides = array<i32>} : memref<8x2048xf32, #tpu.memory_space<vmem>>, vector<1x16xf32>,
        %get3A_426 = vector.shape_cast %get3A_425 : vector<1x16xf32> to vector<16xf32>
        %mul3A_427 = arith.mulf %get3A_426, %get3A_372 : vector<16xf32>
        %add3A_428 = arith.addf %add3A_360, %mul3A_427 : vector<16xf32>
        scf.yield %add3A_379, %add3A_386, %add3A_393, %add3A_400, %add3A_407, %add3A_414, %add3A_421, %add3A_428 : vector<16xf32>, vector<16xf32>, vector<16xf32>, vector<16xf32>, vector<16xf32>, vector<16xf32>, vector<16xf32>, vector<16xf32>
      }
      %scan3A_148 = arith.constant 32 : i32
      scf.yield %scan3A_147#0, %scan3A_147#1, %scan3A_147#2, %scan3A_147#3, %scan3A_147#4, %scan3A_147#5, %scan3A_147#6, %scan3A_147#7 : vector<16xf32>, vector<16xf32>, vector<16xf32>, vector<16xf32>, vector<16xf32>, vector<16xf32>, vector<16xf32>, vector<16xf32>
    }
    %scan3A_45 = arith.constant 5 : i32
    %swap3A = arith.constant 0 : i32
    %swap3A_46 = arith.index_cast %swap3A : i32 to index
    %swap3A_47 = arith.constant 0 : index
    %swap3A_48 = tpu.vector_load %arg8[%swap3A_46, %swap3A_47] {strides = array<i32>} : memref<8x16xf32, #tpu.memory_space<vmem>>, vector<1x16xf32>,
    %swap3A_49 = vector.shape_cast %swap3A_48 : vector<1x16xf32> to vector<16xf32>
    %swap3A_50 = vector.shape_cast %scan3A_44#0 : vector<16xf32> to vector<1x16xf32>
    tpu.vector_store %arg8[%swap3A_46, %swap3A_47], %swap3A_50 {strides = array<i32>} : memref<8x16xf32, #tpu.memory_space<vmem>>, vector<1x16xf32>,
    %swap3A_51 = arith.constant 1 : i32
    %swap3A_52 = arith.index_cast %swap3A_51 : i32 to index
    %swap3A_53 = arith.constant 0 : index
    %swap3A_54 = tpu.vector_load %arg8[%swap3A_52, %swap3A_53] {strides = array<i32>} : memref<8x16xf32, #tpu.memory_space<vmem>>, vector<1x16xf32>,
    %swap3A_55 = vector.shape_cast %swap3A_54 : vector<1x16xf32> to vector<16xf32>
    %swap3A_56 = vector.shape_cast %scan3A_44#1 : vector<16xf32> to vector<1x16xf32>
    tpu.vector_store %arg8[%swap3A_52, %swap3A_53], %swap3A_56 {strides = array<i32>} : memref<8x16xf32, #tpu.memory_space<vmem>>, vector<1x16xf32>,
    %swap3A_57 = arith.constant 2 : i32
    %swap3A_58 = arith.index_cast %swap3A_57 : i32 to index
    %swap3A_59 = arith.constant 0 : index
    %swap3A_60 = tpu.vector_load %arg8[%swap3A_58, %swap3A_59] {strides = array<i32>} : memref<8x16xf32, #tpu.memory_space<vmem>>, vector<1x16xf32>,
    %swap3A_61 = vector.shape_cast %swap3A_60 : vector<1x16xf32> to vector<16xf32>
    %swap3A_62 = vector.shape_cast %scan3A_44#2 : vector<16xf32> to vector<1x16xf32>
    tpu.vector_store %arg8[%swap3A_58, %swap3A_59], %swap3A_62 {strides = array<i32>} : memref<8x16xf32, #tpu.memory_space<vmem>>, vector<1x16xf32>,
    %swap3A_63 = arith.constant 3 : i32
    %swap3A_64 = arith.index_cast %swap3A_63 : i32 to index
    %swap3A_65 = arith.constant 0 : index
    %swap3A_66 = tpu.vector_load %arg8[%swap3A_64, %swap3A_65] {strides = array<i32>} : memref<8x16xf32, #tpu.memory_space<vmem>>, vector<1x16xf32>,
    %swap3A_67 = vector.shape_cast %swap3A_66 : vector<1x16xf32> to vector<16xf32>
    %swap3A_68 = vector.shape_cast %scan3A_44#3 : vector<16xf32> to vector<1x16xf32>
    tpu.vector_store %arg8[%swap3A_64, %swap3A_65], %swap3A_68 {strides = array<i32>} : memref<8x16xf32, #tpu.memory_space<vmem>>, vector<1x16xf32>,
    %swap3A_69 = arith.constant 4 : i32
    %swap3A_70 = arith.index_cast %swap3A_69 : i32 to index
    %swap3A_71 = arith.constant 0 : index
    %swap3A_72 = tpu.vector_load %arg8[%swap3A_70, %swap3A_71] {strides = array<i32>} : memref<8x16xf32, #tpu.memory_space<vmem>>, vector<1x16xf32>,
    %swap3A_73 = vector.shape_cast %swap3A_72 : vector<1x16xf32> to vector<16xf32>
    %swap3A_74 = vector.shape_cast %scan3A_44#4 : vector<16xf32> to vector<1x16xf32>
    tpu.vector_store %arg8[%swap3A_70, %swap3A_71], %swap3A_74 {strides = array<i32>} : memref<8x16xf32, #tpu.memory_space<vmem>>, vector<1x16xf32>,
    %swap3A_75 = arith.constant 5 : i32
    %swap3A_76 = arith.index_cast %swap3A_75 : i32 to index
    %swap3A_77 = arith.constant 0 : index
    %swap3A_78 = tpu.vector_load %arg8[%swap3A_76, %swap3A_77] {strides = array<i32>} : memref<8x16xf32, #tpu.memory_space<vmem>>, vector<1x16xf32>,
    %swap3A_79 = vector.shape_cast %swap3A_78 : vector<1x16xf32> to vector<16xf32>
    %swap3A_80 = vector.shape_cast %scan3A_44#5 : vector<16xf32> to vector<1x16xf32>
    tpu.vector_store %arg8[%swap3A_76, %swap3A_77], %swap3A_80 {strides = array<i32>} : memref<8x16xf32, #tpu.memory_space<vmem>>, vector<1x16xf32>,
    %swap3A_81 = arith.constant 6 : i32
    %swap3A_82 = arith.index_cast %swap3A_81 : i32 to index
    %swap3A_83 = arith.constant 0 : index
    %swap3A_84 = tpu.vector_load %arg8[%swap3A_82, %swap3A_83] {strides = array<i32>} : memref<8x16xf32, #tpu.memory_space<vmem>>, vector<1x16xf32>,
    %swap3A_85 = vector.shape_cast %swap3A_84 : vector<1x16xf32> to vector<16xf32>
    %swap3A_86 = vector.shape_cast %scan3A_44#6 : vector<16xf32> to vector<1x16xf32>
    tpu.vector_store %arg8[%swap3A_82, %swap3A_83], %swap3A_86 {strides = array<i32>} : memref<8x16xf32, #tpu.memory_space<vmem>>, vector<1x16xf32>,
    %swap3A_87 = arith.constant 7 : i32
    %swap3A_88 = arith.index_cast %swap3A_87 : i32 to index
    %swap3A_89 = arith.constant 0 : index
    %swap3A_90 = tpu.vector_load %arg8[%swap3A_88, %swap3A_89] {strides = array<i32>} : memref<8x16xf32, #tpu.memory_space<vmem>>, vector<1x16xf32>,
    %swap3A_91 = vector.shape_cast %swap3A_90 : vector<1x16xf32> to vector<16xf32>
    %swap3A_92 = vector.shape_cast %scan3A_44#7 : vector<16xf32> to vector<1x16xf32>
    tpu.vector_store %arg8[%swap3A_88, %swap3A_89], %swap3A_92 {strides = array<i32>} : memref<8x16xf32, #tpu.memory_space<vmem>>, vector<1x16xf32>,
    %dma_wait3A = arith.constant 0 : i32
    %dma_wait3A_93 = arith.constant 0 : i32
    %dma_wait3A_94 = tpu.memref_slice %arg2[%dma_wait3A, %dma_wait3A_93] : memref<1000x65536xf32, #tpu.memory_space<hbm>> -> memref<8x2048xf32, #tpu.memory_space<hbm>>
    %dma_wait3A_95 = arith.constant 0 : i32
    %dma_wait3A_96 = arith.constant 0 : i32
    %dma_wait3A_97 = tpu.memref_slice %arg2[%dma_wait3A_95, %dma_wait3A_96] : memref<1000x65536xf32, #tpu.memory_space<hbm>> -> memref<8x2048xf32, #tpu.memory_space<hbm>>
    tpu.wait_dma2 semaphore(%arg9 : memref<!tpu.dma_semaphore, #tpu.memory_space<semaphore_mem>>) src(%dma_wait3A_97 : memref<8x2048xf32, #tpu.memory_space<hbm>>) dst(%arg6 : memref<8x2048xf32, #tpu.memory_space<vmem>>)
    "tpu.region"() ({
      %run_scoped3A = tpu.sem_alloc : memref<!tpu.dma_semaphore, #tpu.memory_space<semaphore_mem>>
      %dma_start3A_98 = arith.constant 0 : i32
      %dma_start3A_99 = arith.constant 0 : i32
      %dma_start3A_100 = tpu.memref_slice %arg4[%add3A, %dma_start3A_98, %dma_start3A_99] : memref<32x8x16xf32, #tpu.memory_space<hbm>> -> memref<1x8x16xf32, #tpu.memory_space<hbm>>
      %dma_start3A_101 = tpu.memref_squeeze %dma_start3A_100 : memref<1x8x16xf32, #tpu.memory_space<hbm>> -> memref<8x16xf32, #tpu.memory_space<hbm>>
      %dma_start3A_102 = arith.constant 0 : i32
      %dma_start3A_103 = arith.constant 0 : i32
      %dma_start3A_104 = tpu.memref_slice %arg4[%add3A, %dma_start3A_102, %dma_start3A_103] : memref<32x8x16xf32, #tpu.memory_space<hbm>> -> memref<1x8x16xf32, #tpu.memory_space<hbm>>
      %dma_start3A_105 = tpu.memref_squeeze %dma_start3A_104 : memref<1x8x16xf32, #tpu.memory_space<hbm>> -> memref<8x16xf32, #tpu.memory_space<hbm>>
      tpu.enqueue_dma source(%arg8 : memref<8x16xf32, #tpu.memory_space<vmem>>) target(%dma_start3A_105 : memref<8x16xf32, #tpu.memory_space<hbm>>) target_semaphore(%run_scoped3A : memref<!tpu.dma_semaphore, #tpu.memory_space<semaphore_mem>>)
      %dma_wait3A_106 = arith.constant 0 : i32
      %dma_wait3A_107 = arith.constant 0 : i32
      %dma_wait3A_108 = tpu.memref_slice %arg4[%add3A, %dma_wait3A_106, %dma_wait3A_107] : memref<32x8x16xf32, #tpu.memory_space<hbm>> -> memref<1x8x16xf32, #tpu.memory_space<hbm>>
      %dma_wait3A_109 = tpu.memref_squeeze %dma_wait3A_108 : memref<1x8x16xf32, #tpu.memory_space<hbm>> -> memref<8x16xf32, #tpu.memory_space<hbm>>
      %dma_wait3A_110 = arith.constant 0 : i32
      %dma_wait3A_111 = arith.constant 0 : i32
      %dma_wait3A_112 = tpu.memref_slice %arg4[%add3A, %dma_wait3A_110, %dma_wait3A_111] : memref<32x8x16xf32, #tpu.memory_space<hbm>> -> memref<1x8x16xf32, #tpu.memory_space<hbm>>
      %dma_wait3A_113 = tpu.memref_squeeze %dma_wait3A_112 : memref<1x8x16xf32, #tpu.memory_space<hbm>> -> memref<8x16xf32, #tpu.memory_space<hbm>>
      tpu.wait_dma2 semaphore(%run_scoped3A : memref<!tpu.dma_semaphore, #tpu.memory_space<semaphore_mem>>) src(%arg8 : memref<8x16xf32, #tpu.memory_space<vmem>>) dst(%dma_wait3A_113 : memref<8x16xf32, #tpu.memory_space<hbm>>)
      tpu.yield
    }) : () -> ()
    return
  }
}

module attributes {stable_mosaic.version = 14 : i64} {
  func.func @_tc2_body(%arg0: i32, %arg1: memref<1x45056xf32, #tpu.memory_space<vmem>>, %arg2: memref<48x45056xf32, #tpu.memory_space<vmem>>, %arg3: memref<48x1xf32, #tpu.memory_space<vmem>>) attributes {dimension_semantics = [#tpu.dimension_semantics<arbitrary>], iteration_bounds = array<i64: 5>, scalar_prefetch = 0 : i64, scratch_operands = 0 : i64, tpu.core_type = #tpu.core_type<tc>, window_params = [{transform_indices = @transform_0, window_bounds = array<i64: 1, 45056>}, {transform_indices = @transform_1, window_bounds = array<i64: 48, 45056>}, {transform_indices = @transform_2, window_bounds = array<i64: 48, 1>}]} {
    %get3A = arith.constant 0 : index
    %get3A_0 = arith.constant 0 : index
    %get3A_1 = vector.load %arg1[%get3A, %get3A_0] : memref<1x45056xf32, #tpu.memory_space<vmem>>, vector<1x45056xf32>
    %gt3A = arith.constant 0.699999988 : f32
    %gt3A_2 = vector.broadcast %gt3A : f32 to vector<1x45056xf32>
    %gt3A_3 = arith.cmpf ogt, %get3A_1, %gt3A_2 : vector<1x45056xf32>
    %convert_element_type3A = arith.extui %gt3A_3 : vector<1x45056xi1> to vector<1x45056xi32>
    %convert_element_type3A_4 = arith.sitofp %convert_element_type3A : vector<1x45056xi32> to vector<1x45056xf32>
    %get3A_5 = arith.constant 0 : index
    %get3A_6 = arith.constant 0 : index
    %get3A_7 = vector.load %arg2[%get3A_5, %get3A_6] : memref<48x45056xf32, #tpu.memory_space<vmem>>, vector<48x45056xf32>
    %mul3A = vector.broadcast %convert_element_type3A_4 : vector<1x45056xf32> to vector<48x45056xf32>
    %mul3A_8 = arith.mulf %get3A_7, %mul3A : vector<48x45056xf32>
    %reduce_sum3A = arith.constant dense<0.000000e+00> : vector<48xf32>
    %reduce_sum3A_9 = vector.multi_reduction <add>, %mul3A_8, %reduce_sum3A [1] : vector<48x45056xf32> to vector<48xf32>
    %broadcast_in_dim3A = vector.shape_cast %reduce_sum3A_9 : vector<48xf32> to vector<48x1xf32>
    %swap3A = arith.constant 0 : index
    %swap3A_10 = arith.constant 0 : index
    %swap3A_11 = vector.load %arg3[%swap3A, %swap3A_10] : memref<48x1xf32, #tpu.memory_space<vmem>>, vector<48x1xf32>
    tpu.vector_store %arg3[%swap3A, %swap3A_10], %broadcast_in_dim3A {strides = array<i32>} : memref<48x1xf32, #tpu.memory_space<vmem>>, vector<48x1xf32>,
    return
  }
  func.func @transform_0(%arg0: i32) -> (i32, i32) {
    %c0_i32 = arith.constant 0 : i32
    %c0_i32_0 = arith.constant 0 : i32
    %c0_i32_1 = arith.constant 0 : i32
    return %c0_i32, %c0_i32_0 : i32, i32
  }
  func.func @transform_1(%arg0: i32) -> (i32, i32) {
    %c0_i32 = arith.constant 0 : i32
    %c0_i32_0 = arith.constant 0 : i32
    return %arg0, %c0_i32 : i32, i32
  }
  func.func @transform_2(%arg0: i32) -> (i32, i32) {
    %c0_i32 = arith.constant 0 : i32
    %c0_i32_0 = arith.constant 0 : i32
    return %arg0, %c0_i32 : i32, i32
  }
}

module attributes {stable_mosaic.version = 14 : i64} {
  func.func @_tc_body(%arg0: i32, %arg1: memref<1x65536xf32, #tpu.memory_space<vmem>>, %arg2: memref<40x65536xf32, #tpu.memory_space<vmem>>, %arg3: memref<40x1xf32, #tpu.memory_space<vmem>>) attributes {dimension_semantics = [#tpu.dimension_semantics<arbitrary>], iteration_bounds = array<i64: 19>, scalar_prefetch = 0 : i64, scratch_operands = 0 : i64, tpu.core_type = #tpu.core_type<tc>, window_params = [{pipeline_mode = #tpu.pipeline_mode<synchronous>, transform_indices = @transform_0, window_bounds = array<i64: 1, 65536>}, {transform_indices = @transform_1, window_bounds = array<i64: 40, 65536>}, {transform_indices = @transform_2, window_bounds = array<i64: 40, 1>}]} {
    %get3A = arith.constant 0 : index
    %get3A_0 = arith.constant 0 : index
    %get3A_1 = vector.load %arg1[%get3A, %get3A_0] : memref<1x65536xf32, #tpu.memory_space<vmem>>, vector<1x65536xf32>
    %gt3A = arith.constant 0.699999988 : f32
    %gt3A_2 = vector.broadcast %gt3A : f32 to vector<1x65536xf32>
    %gt3A_3 = arith.cmpf ogt, %get3A_1, %gt3A_2 : vector<1x65536xf32>
    %convert_element_type3A = arith.extui %gt3A_3 : vector<1x65536xi1> to vector<1x65536xi32>
    %convert_element_type3A_4 = arith.sitofp %convert_element_type3A : vector<1x65536xi32> to vector<1x65536xf32>
    %get3A_5 = arith.constant 0 : index
    %get3A_6 = arith.constant 0 : index
    %get3A_7 = vector.load %arg2[%get3A_5, %get3A_6] : memref<40x65536xf32, #tpu.memory_space<vmem>>, vector<40x65536xf32>
    %mul3A = vector.broadcast %convert_element_type3A_4 : vector<1x65536xf32> to vector<40x65536xf32>
    %mul3A_8 = arith.mulf %get3A_7, %mul3A : vector<40x65536xf32>
    %reduce_sum3A = arith.constant dense<0.000000e+00> : vector<40xf32>
    %reduce_sum3A_9 = vector.multi_reduction <add>, %mul3A_8, %reduce_sum3A [1] : vector<40x65536xf32> to vector<40xf32>
    %broadcast_in_dim3A = vector.shape_cast %reduce_sum3A_9 : vector<40xf32> to vector<40x1xf32>
    %swap3A = arith.constant 0 : index
    %swap3A_10 = arith.constant 0 : index
    %swap3A_11 = vector.load %arg3[%swap3A, %swap3A_10] : memref<40x1xf32, #tpu.memory_space<vmem>>, vector<40x1xf32>
    tpu.vector_store %arg3[%swap3A, %swap3A_10], %broadcast_in_dim3A {strides = array<i32>} : memref<40x1xf32, #tpu.memory_space<vmem>>, vector<40x1xf32>,
    return
  }
  func.func @transform_0(%arg0: i32) -> (i32, i32) {
    %c0_i32 = arith.constant 0 : i32
    %c0_i32_0 = arith.constant 0 : i32
    %c0_i32_1 = arith.constant 0 : i32
    return %c0_i32, %c0_i32_0 : i32, i32
  }
  func.func @transform_1(%arg0: i32) -> (i32, i32) {
    %add3A = arith.constant 6 : i32
    %add3A_0 = arith.addi %arg0, %add3A : i32
    %c0_i32 = arith.constant 0 : i32
    %c0_i32_1 = arith.constant 0 : i32
    return %add3A_0, %c0_i32 : i32, i32
  }
  func.func @transform_2(%arg0: i32) -> (i32, i32) {
    %c0_i32 = arith.constant 0 : i32
    %c0_i32_0 = arith.constant 0 : i32
    return %arg0, %c0_i32 : i32, i32
  }
}

module attributes {stable_mosaic.version = 14 : i64} {
  func.func @_fold_body(%arg0: memref<256x16xf32, #tpu.memory_space<vmem>>, %arg1: memref<240x1xf32, #tpu.memory_space<vmem>>, %arg2: memref<760x1xf32, #tpu.memory_space<vmem>>, %arg3: memref<1000x1xf32, #tpu.memory_space<vmem>>, %arg4: memref<1xi32, #tpu.memory_space<smem>>) attributes {dimension_semantics = [], scalar_prefetch = 0 : i64, scratch_operands = 0 : i64, tpu.core_type = #tpu.core_type<tc>} {
    %get3A = arith.constant 0 : index
    %get3A_0 = arith.constant 0 : index
    %get3A_1 = vector.load %arg0[%get3A, %get3A_0] : memref<256x16xf32, #tpu.memory_space<vmem>>, vector<256x16xf32>
    %reduce_sum3A = arith.constant dense<0.000000e+00> : vector<256xf32>
    %reduce_sum3A_2 = vector.multi_reduction <add>, %get3A_1, %reduce_sum3A [1] : vector<256x16xf32> to vector<256xf32>
    %broadcast_in_dim3A = vector.shape_cast %reduce_sum3A_2 : vector<256xf32> to vector<256x1xf32>
    %slice3A = vector.extract_strided_slice %broadcast_in_dim3A {offsets = [0, 0], sizes = [240, 1], strides = [1, 1]} : vector<256x1xf32> to vector<240x1xf32>
    %get3A_3 = arith.constant 0 : index
    %get3A_4 = arith.constant 0 : index
    %get3A_5 = vector.load %arg1[%get3A_3, %get3A_4] : memref<240x1xf32, #tpu.memory_space<vmem>>, vector<240x1xf32>
    %add3A = arith.addf %slice3A, %get3A_5 : vector<240x1xf32>
    %get3A_6 = arith.constant 0 : index
    %get3A_7 = arith.constant 0 : index
    %get3A_8 = vector.load %arg2[%get3A_6, %get3A_7] : memref<760x1xf32, #tpu.memory_space<vmem>>, vector<760x1xf32>
    %concatenate3A = tpu.concatenate %add3A, %get3A_8 in 0 : vector<240x1xf32>, vector<760x1xf32> -> vector<1000x1xf32>
    %swap3A = arith.constant 0 : index
    %swap3A_9 = arith.constant 0 : index
    %swap3A_10 = vector.load %arg3[%swap3A, %swap3A_9] : memref<1000x1xf32, #tpu.memory_space<vmem>>, vector<1000x1xf32>
    tpu.vector_store %arg3[%swap3A, %swap3A_9], %concatenate3A {strides = array<i32>} : memref<1000x1xf32, #tpu.memory_space<vmem>>, vector<1000x1xf32>,
    %iota3A = tpu.iota {dimensions = array<i32: 0>} : vector<1000x1xi32>
    %reduce_max3A = vector.shape_cast %concatenate3A : vector<1000x1xf32> to vector<1x1000x1xf32>
    %reduce_max3A_11 = arith.constant dense<0xFF800000> : vector<1xf32>
    %reduce_max3A_12 = vector.multi_reduction <maximumf>, %reduce_max3A, %reduce_max3A_11 [1, 2] : vector<1x1000x1xf32> to vector<1xf32>
    %reduce_max3A_13 = vector.shape_cast %reduce_max3A_12 : vector<1xf32> to vector<1x1x1xf32>
    %reduce_max3A_14 = vector.extract %reduce_max3A_13[0, 0, 0] : f32 from vector<1x1x1xf32>
    %eq3A = vector.broadcast %reduce_max3A_14 : f32 to vector<1000x1xf32>
    %eq3A_15 = arith.cmpf oeq, %concatenate3A, %eq3A : vector<1000x1xf32>
    %jit3A = arith.constant 1000 : i32
    %broadcast_in_dim3A_16 = vector.broadcast %jit3A : i32 to vector<1000x1xi32>
    %select_n3A = arith.select %eq3A_15, %iota3A, %broadcast_in_dim3A_16 : vector<1000x1xi1>, vector<1000x1xi32>
    %reduce_min3A = vector.shape_cast %select_n3A : vector<1000x1xi32> to vector<1x1000x1xi32>
    %reduce_min3A_17 = arith.constant dense<2147483647> : vector<1xi32>
    %reduce_min3A_18 = vector.multi_reduction <minsi>, %reduce_min3A, %reduce_min3A_17 [1, 2] : vector<1x1000x1xi32> to vector<1xi32>
    %reduce_min3A_19 = vector.shape_cast %reduce_min3A_18 : vector<1xi32> to vector<1x1x1xi32>
    %reduce_min3A_20 = vector.extract %reduce_min3A_19[0, 0, 0] : i32 from vector<1x1x1xi32>
    %swap3A_21 = arith.constant 0 : index
    %swap3A_22 = memref.load %arg4[%swap3A_21] : memref<1xi32, #tpu.memory_space<smem>>
    memref.store %reduce_min3A_20, %arg4[%swap3A_21] : memref<1xi32, #tpu.memory_space<smem>>
    return
  }
}

</mosaic_0001>

<sc_bundles>
// kernel: kernel.6.cloned.1.call-start
scs
__scs_entry_jumppad:
0x0: {  	(pc) =	sbr.rel $0x88, $3  }
0x1: {  	(tag) =	ssettag $0x0;
	lr =	simm.s32 $0x1  }
0x2: {  	[smem:$0x3F9F] =	sst lr;
	_ =	strace $0xD0000000  }
0x3: {  	_ = 	snop  }
0x4: {  	_ = 	snop  }
0x5: {  	_ = 	snop  }
0x6: {  	_ = 	snop  }
0x7: {  	_ = 	snop  }
__scs_overlays_trampoline_lowered:
0x8: {  	[smem:$0x3FAE] =	sst s0  }
0x9: {  	[smem:$0x3FAF] =	sst s1  }
0xa: {  	[smem:$0x3FB0] =	sst s2  }
0xb: {  	[smem:$0x3FB1] =	sst s3  }
0xc: {  	[smem:$0x3FB2] =	sst s4  }
0xd: {  	[smem:$0x3FB3] =	sst s5  }
0xe: {  	[smem:$0x3FB4] =	sst s6  }
0xf: {  	[smem:$0x3FB5] =	sst s7  }
0x10: {  	[smem:$0x3FB6] =	sst s8  }
0x11: {  	[smem:$0x3FB7] =	sst s9;
	s0 =	simm.s32 @!p0 $0x0  }
0x12: {  	s1 =	sld [smem:$0x3F9D];
	s0 =	simm.s32 @p0 $0x1  }
0x13: {  	[smem:$0x3FB8] =	sst s0;
	s0 =	simm.s32 @!p1 $0x0  }
0x14: {  	s2 =	sld [smem:$0x3F9C];
	s0 =	simm.s32 @p1 $0x1  }
0x15: {  	[smem:$0x3FB9] =	sst s0;
	s0 =	simm.s32 @!p2 $0x0  }
0x16: {  	s3 =	sld [smem:$0x3FDB];
	s0 =	simm.s32 @p2 $0x1  }
0x17: {  	s4 =	simm.s32 $0x1BF5;
	[smem:$0x3FBB] =	sst s0  }
0x18: {  	s0 =	sld [smem:$0x3F9E];
	_ =	swait.ge [sflag:s4], $0x0  }
0x19: {  	s7 =	sld [smem:$0x3F9F]  }
0x1a: {  	s8 =	sadd.s32 $0xFFFFE003, lr  }
0x1b: {  	s9 =	sadd.s32 $0xFFFFFEF7, lr;
	s5 =	simm.s32 $0xFFFFFFFF;
	p2 =	slt.u32 s8, $0xFFFFF086  }
0x1c: {  	p1 =	slt.u32 s9, $0xF7A;
	s5 =	simm.s32 @!p2 $0x0  }
0x1d: {  	s5 =	simm.s32 @p1 $0x1;
	p0 =	seq.s32 s7, s2  }
0x1e: {  	s7 =	smul.u32 @!p0 $0xF7A, s2;
	p2 =	seq.s32 @!p0 s5, $0x0  }
0x1f: {  	s9 =	smul.u32 $0xF7A, s1;
	s8 =	simm.s32 @!p0 $0x1BF5;
	p2 =	por !p2, p0  }
0x20: {  	[sflag:s8] =	ssyncset.s32 @!p0 $0xFFFFF086;
	s6 =	sadd.s32 @!p0 s3, s7;
	s7 =	simm.s32 @!p0 $0x108  }
0x21: {  	s3 =	sadd.s32 s3, s9;
	s6 =	sadd.s32 @!p0 $0x88, s6;
	s7 =	simm.s32 @p2 $0x1082  }
0x22: {  	[simem:s7], [sflag:s8] =	dma.local @!p0 [hbm:s6], $0xF7A  }
0x23: {  	s9 =	sor.u32 $0xD0000000, s2;
	s6 =	simm.s32 $0x108;
	_ =	swait.ge @!p0 [sflag:s8], $0x0  }
0x24: {  	s3 =	sadd.s32 $0x88, s3;
	s6 =	simm.s32 @!p1 $0x1082;
	[sflag:s4] =	ssyncset.s32 $0xFFFFF086  }
0x25: {  	[simem:s6], [sflag:s4] =	dma.local [hbm:s3], $0xF7A  }
0x26: {  	[smem:$0x3F9F] =	sst s1;
	(tag) =	ssettag s2;
	_ =	strace s9  }
0x27: {  	s1 =	sld [smem:$0x3FAF]  }
0x28: {  	s2 =	sld [smem:$0x3FB0]  }
0x29: {  	s4 =	sld [smem:$0x3FB2]  }
0x2a: {  	p0 =	seq.s32 s5, $0x0;
	s5 =	sld [smem:$0x3FB3]  }
0x2b: {  	s6 =	sld [smem:$0x3FB4]  }
0x2c: {  	s7 =	sld [smem:$0x3FB5]  }
0x2d: {  	s3 =	simm.s32 $0x108;
	s8 =	sld [smem:$0x3FB6]  }
0x2e: {  	s3 =	simm.s32 @!p0 $0x1082;
	s9 =	sld [smem:$0x3FB7]  }
0x2f: {  	lr =	sadd.s32 s0, s3;
	s0 =	sld [smem:$0x3FAE]  }
0x30: {  	s3 =	sld [smem:$0x3FB1]  }
0x31: {  	[smem:$0x3FBA] =	sst s10  }
0x32: {  	s10 =	sld [smem:$0x3FB8];
	_ =	sdelay $0x3  }
0x33: {  	p0 =	seq.s32 s10, $0x1;
	s10 =	sld [smem:$0x3FBA];
	_ =	sdelay $0x3  }
0x34: {  	[smem:$0x3FBA] =	sst s10  }
0x35: {  	s10 =	sld [smem:$0x3FB9];
	_ =	sdelay $0x3  }
0x36: {  	p1 =	seq.s32 s10, $0x1;
	s10 =	sld [smem:$0x3FBA];
	_ =	sdelay $0x3  }
0x37: {  	[smem:$0x3FBA] =	sst s10  }
0x38: {  	s10 =	sld [smem:$0x3FBB]  }
0x39: {  	_ = 	snop;
	(pc) =	sbr.ind lr, $3  }
0x3a: {  	_ = 	snop  }
0x3b: {  	_ = 	snop  }
0x3c: {  	p2 =	seq.s32 s10, $0x1;
	s10 =	sld [smem:$0x3FBA]  }
0x3d: {  	_ =	shalt  }
0x3e: {  	_ =	shalt  }
0x3f: {  	_ =	shalt  }
0x40: {  	_ =	shalt  }
0x41: {  	_ =	shalt  }
0x42: {  	_ =	shalt  }
0x43: {  	_ =	shalt  }
0x44: {  	_ =	shalt  }
0x45: {  	_ =	shalt  }
0x46: {  	_ =	shalt  }
0x47: {  	_ =	shalt  }
0x48: {  	_ =	shalt  }
0x49: {  	_ =	shalt  }
0x4a: {  	_ =	shalt  }
0x4b: {  	_ =	shalt  }
0x4c: {  	_ =	shalt  }
0x4d: {  	_ =	shalt  }
0x4e: {  	_ =	shalt  }
0x4f: {  	_ =	shalt  }
0x50: {  	_ =	shalt  }
0x51: {  	_ =	shalt  }
0x52: {  	_ =	shalt  }
0x53: {  	_ =	shalt  }
0x54: {  	_ =	shalt  }
0x55: {  	_ =	shalt  }
0x56: {  	_ =	shalt  }
0x57: {  	_ =	shalt  }
0x58: {  	_ =	shalt  }
0x59: {  	_ =	shalt  }
0x5a: {  	_ =	shalt  }
0x5b: {  	_ =	shalt  }
0x5c: {  	_ =	shalt  }
0x5d: {  	_ =	shalt  }
0x5e: {  	_ =	shalt  }
0x5f: {  	_ =	shalt  }
0x60: {  	_ =	shalt  }
0x61: {  	_ =	shalt  }
0x62: {  	_ =	shalt  }
0x63: {  	_ =	shalt  }
0x64: {  	_ =	shalt  }
0x65: {  	_ =	shalt  }
0x66: {  	_ =	shalt  }
0x67: {  	_ =	shalt  }
0x68: {  	_ =	shalt  }
0x69: {  	_ =	shalt  }
0x6a: {  	_ =	shalt  }
0x6b: {  	_ =	shalt  }
0x6c: {  	_ =	shalt  }
0x6d: {  	_ =	shalt  }
0x6e: {  	_ =	shalt  }
0x6f: {  	_ =	shalt  }
0x70: {  	_ =	shalt  }
0x71: {  	_ =	shalt  }
0x72: {  	_ =	shalt  }
0x73: {  	_ =	shalt  }
0x74: {  	_ =	shalt  }
0x75: {  	_ =	shalt  }
0x76: {  	_ =	shalt  }
0x77: {  	_ =	shalt  }
0x78: {  	_ =	shalt  }
0x79: {  	_ =	shalt  }
0x7a: {  	_ =	shalt  }
0x7b: {  	_ =	shalt  }
0x7c: {  	_ =	shalt  }
0x7d: {  	_ =	shalt  }
0x7e: {  	_ =	shalt  }
0x7f: {  	_ =	shalt  }
0x80: {  	_ =	shalt  }
0x81: {  	_ =	shalt  }
0x82: {  	_ =	shalt  }
0x83: {  	_ =	shalt  }
0x84: {  	_ =	shalt  }
0x85: {  	_ =	shalt  }
0x86: {  	_ =	shalt  }
0x87: {  	_ =	shalt  }
.Lfunc_end0:
.L_simem_size_0:
called_computation_lowered:
.L_overlay_start_0:
0x88: {  	s2 =	sld [smem:$0x3FD9]  }
0x89: {  	s3 =	sld [smem:$0x3FFE];
	_ =	sdelay $0x1  }
0x8a: {  	s1 =	srdreg.scid  }
0x8b: {  	s0 =	sand.u32 $0x1, s1  }
0x8c: {  	s17 =	sshll.u32 s0, $0xA;
	s2 =	sadd.s32 s3, s2  }
0x8d: {  	s2 =	sadd.s32 s2, s17  }
0x8e: {  	[smem:$0x3FC6] =	sst s2  }
0x8f: {  	_ = 	snop  }
0x90: {  	s2 =	sld [smem:$0x3FC8];
	(tm) =	ssettm $0x1  }
0x91: {  	s18 =	sld [smem:$0x3FFB];
	_ =	sdelay $0x3  }
0x92: {  	_ =	strace s18  }
0x93: {  	s3 =	sld [smem:$0x3FFC];
	_ =	sdelay $0x3  }
0x94: {  	_ =	strace s3  }
0x95: {  	s3 =	sld [smem:$0x3FFD];
	_ =	sdelay $0x3  }
0x96: {  	_ =	strace s3  }
0x97: {  	_ =	strace $0x8FFFFFFF  }
0x98: {  	s19 =	sld [smem:$0x3FDB];
	_ =	sdelay $0x1  }
0x99: {  	s4 =	simm.s32 $_scs_section_size  }
0x9a: {  	s5 =	simm.s32 $_size__tile_overlayer_lowered;
	s6 =	simm.s32 $_tile_overlayer_lowered  }
0x9b: {  	s22 =	simm.s32 $0x1BFF;
	s21 =	sshll.u32 s6, $0x1;
	s3 =	sadd.s32 s4, s19  }
0x9c: {  	s7 =	simm.s32 $0x0;
	s20 =	sshll.u32 s5, $0x1;
	s5 =	sadd.s32 s21, s3  }
0x9d: {  	[timem:s7], [sflag:s22] =	dma.local [hbm:s5], s20  }
0x9e: {  	_ =	swait.ge [sflag:s22], s20  }
0x9f: {  	s4 =	ssub.s32 $0x0, s20;
	[sflag:s22] =	ssyncset.done $0x0  }
0xa0: {  	[sflag:s22] =	ssyncadd.s32 s4;
	_ =	sdelay $0x1  }
0xa1: {  	s23 =	simm.s32 $0x1B8B  }
0xa2: {  	_ =	swait.ge [sflag:s23], $0x1  }
0xa3: {  	[sflag:s23] =	ssyncset.done $0x0  }
0xa4: {  	s25 =	simm.s32 $0x1B8E;
	s24 =	sld [smem:$0x3FFE];
	[sflag:s23] =	ssyncadd.s32 $0xFFFFFFFF  }
0xa5: {  	s26 =	simm.s32 $execute0_lowered;
	[smem:$0x3FD2] =	sst s25  }
0xa6: {  	s5 =	sshll.u32 s26, $0x1;
	_ =	strace $0x80000046;
	[dreg:$0x1] =	wrdreg $0xFFFFFFFF  }
0xa7: {  	s28 =	simm.s32 $_size_execute0_lowered;
	s3 =	sadd.s32 s3, s5;
	[dreg:$0x0] =	wrdreg $0x0  }
0xa8: {  	s5 =	sshll.u32 s28, $0x1;
	[dreg:$0x2] =	wrdreg s3  }
0xa9: {  	[dreg:$0x3] =	wrdreg s5  }
0xaa: {  	[dreg:$0x4] =	wrdreg $0xC0  }
0xab: {  	_ =	task [dreg:s7], $0x5FFFF  }
0xac: {  	[dreg:$0x1] =	wrdreg $0xFFFFFFFF  }
0xad: {  	[dreg:$0x0] =	wrdreg $0x60  }
0xae: {  	[dreg:$0x2] =	wrdreg s2  }
0xaf: {  	[dreg:$0x3] =	wrdreg s24  }
0xb0: {  	[dreg:$0x4] =	wrdreg $0x9  }
0xb1: {  	_ =	task.clear_ibuf [dreg:s7], $0x5FFFF;
	_ =	strace $0x90000046  }
0xb2: {  	s29 =	simm.s32 $0x9;
	_ =	strace $0x80000048  }
0xb3: {  	_ =	swait.ge [sflag:s29], $0x1  }
0xb4: {  	[sflag:s29] =	ssyncadd.s32 $0xFFFFFFFF  }
0xb5: {  	_ =	strace $0x90000048  }
0xb6: {  	_ =	sfence  }
0xb7: {  	s30 =	sld [smem:$0x0];
	_ =	sdelay $0x2  }
0xb8: {  	s31 =	sshll.u32 s1, $0xD;
	s1 =	sshrl.u32 s1, $0x2  }
0xb9: {  	s3 =	sand.u32 $0x4000, s31;
	s1 =	sadd.s32 s1, s30  }
0xba: {  	s0 =	sor.u32 s3, s0;
	s1 =	sshll.u32 s1, $0x11  }
0xbb: {  	s0 =	sor.u32 s1, s0  }
0xbc: {  	s0 =	sadd.s32 $0x8F2B, s0  }
0xbd: {  	[sflag:s0] =	ssyncadd.remote.s32 $0x1  }
0xbe: {  	_ =	sfence.sel $0xFFFF  }
0xbf: {  	[dreg:$0x0] =	wrdreg $0xFFFFFFFF;
	(pc) =	sbr.abs _section_cstart, $3  }
0xc0: {  	[dreg:$0x1] =	wrdreg $0xFFFFFFFF  }
0xc1: {  	_ =	task.clear_ibuf [dreg:s7], $0x2FFFF;
	_ =	strace $0x9FFFFFFF  }
0xc2: {  	(tm) =	ssettm $0x7FFFFFFF  }
0xc3: {  	_ =	shalt  }
tec
execute0_lowered:
.L_overlay_start_1:
0x0: {  	(tag) =	ssettag $0x1  }
0x1: {  	s1 =	rddreg [dreg:$0x0]  }
0x2: {  	s5 =	rddreg [dreg:$0x1]  }
0x3: {  	s3 =	simm.s32 $0x0;
	s4 =	srdreg.scid;
	s2 =	stileid.u32  }
0x4: {  	s12 =	simm.s32 $0x2;
	s13 =	simm.s32 $0x1;
	s14 =	simm.s32 $0x9000  }
0x5: {  	s15 =	simm.s32 $0xD000;
	s16 =	simm.s32 $0x3;
	s17 =	simm.s32 $0x0  }
0x6: {  	[smem:$0x7FF] =	sst s3;
	s6 =	sand.u32 $0x1, s4;
	s7 =	sshll.u32 s2, $0x1  }
0x7: {  	s4 =	sadd.s32 $0x600, s5;
	_ =	strace $0x80000047;
	s7 =	sor.u32 s6, s7  }
0x8: {  	s6 =	ssub.s32 $0x2, s6;
	s8 =	sshll.u32 s7, $0x7;
	s9 =	sshll.u32 s7, $0x10  }
0x9: {  	s30 =	sshrl.u32 s6, $0x1;
	s7 =	sshll.u32 s7, $0x13;
	s10 =	sadd.s32 s8, s5  }
0xa: {  	s31 =	sadd.s32 s9, s1;
	s11 =	ssub.s32 s6, s30;
	s6 =	sor.u32 $0x5C000, s7  }
0xb: {  	s7 =	sor.u32 $0x60000, s7;
	s5 =	sadd.s32 $0xB000, s31;
	s8 =	sadd.s32 $0x1B000, s31  }
0xc: {  	s9 =	sadd.s32 $0x1000, s10;
	s10 =	smax.u32 s11, $0x1;
	s11 =	simm.s32 $0x5000  }
.LBB2_1:
0xd: {  	[tilespmem:s3], [sflag:$0x2] =	stream.linear.gather [hbm4b:s4+s3], $0x5000, $0x38;
	[tilespmem:$0xD400] =	vst v63  }
0xe: {  	_ = 	snop  }
0xf: {  	[tilespmem:s11], [sflag:$0x1] =	stream.linear.gather [hbm4b:s5+s3], $0x4000, $0x38;
	[tilespmem:$0xD400] =	vst v63  }
0x10: {  	_ =	swait.ge [sflag:s12], $0x5000  }
0x11: {  	[sflag:s12] =	ssyncset.done $0x0  }
0x12: {  	s18 =	simm.s32 $0x0;
	[sflag:s12] =	ssyncadd.s32 $0xFFFFB000  }
0x13: {  	v0 =	vld [tilespmem:s18+$0x0]  }
0x14: {  	v4 =	vld [tilespmem:s18+$0x10]  }
0x15: {  	v5 =	vld [tilespmem:s18+$0x20]  }
0x16: {  	v3 =	vld [tilespmem:s18+$0x30]  }
0x17: {  	v1 =	vld [tilespmem:s18+$0x40]  }
0x18: {  	v2 =	vld [tilespmem:s18+$0x50];
	vm0 =	vgt.f32 v0, $6.999999880e-01;
	v0 =	vimm.f32 $0.0e+00  }
0x19: {  	s19 =	simm.s32 $0x200;
	v6 =	vsel vm0, $0x3F800000, v0;
	vm0 =	vgt.f32 v4, $6.999999880e-01;
	v4 =	vld [tilespmem:s18+$0x60]  }
.LBB2_2:
0x1a: {  	s20 =	sshra.s32 s19, $0x2;
	p0 =	sne.s32 s19, $0x13E00;
	[tilespmem:s18+$0x0] =	vst v6;
	v6 =	vsel vm0, $0x3F800000, v0;
	vm0 =	vgt.f32 v5, $6.999999880e-01;
	v7 =	vld [tilespmem:s18+$0x70]  }
0x1b: {  	v8 =	vld [tilespmem:s20+$0x0];
	[tilespmem:s18+$0x10] =	vst v6;
	v5 =	vsel vm0, $0x3F800000, v0;
	vm0 =	vgt.f32 v3, $6.999999880e-01  }
0x1c: {  	v9 =	vld [tilespmem:s20+$0x10];
	[tilespmem:s18+$0x20] =	vst v5;
	v3 =	vsel vm0, $0x3F800000, v0;
	vm0 =	vgt.f32 v1, $6.999999880e-01  }
.Ltmp0:
0x1d: {  	v5 =	vld [tilespmem:s20+$0x20];
	[tilespmem:s18+$0x30] =	vst v3;
	v1 =	vsel vm0, $0x3F800000, v0;
	vm0 =	vgt.f32 v2, $6.999999880e-01;
	(pc) =	sbr.rel @p0 .LBB2_2-.Ltmp0, $4  }
0x1e: {  	v3 =	vld [tilespmem:s20+$0x30];
	[tilespmem:s18+$0x40] =	vst v1;
	v2 =	vsel vm0, $0x3F800000, v0;
	vm0 =	vgt.f32 v4, $6.999999880e-01  }
0x1f: {  	v1 =	vld [tilespmem:s20+$0x40];
	[tilespmem:s18+$0x50] =	vst v2;
	v4 =	vsel vm0, $0x3F800000, v0;
	vm0 =	vgt.f32 v7, $6.999999880e-01  }
0x20: {  	vm1 =	vgt.f32 v8, $6.999999880e-01;
	v2 =	vld [tilespmem:s20+$0x50];
	[tilespmem:s18+$0x60] =	vst v4;
	v7 =	vsel vm0, $0x3F800000, v0  }
0x21: {  	s19 =	sadd.s32 $0x200, s19;
	v6 =	vsel vm1, $0x3F800000, v0;
	vm0 =	vgt.f32 v9, $6.999999880e-01;
	v4 =	vld [tilespmem:s20+$0x60];
	[tilespmem:s18+$0x70] =	vst v7;
	s18 =	smov.u32 s20  }
0x22: {  	[tilespmem:s18+$0x0] =	vst v6;
	v6 =	vsel vm0, $0x3F800000, v0;
	vm10 =	vgt.f32 v5, $6.999999880e-01;
	v5 =	vld [tilespmem:s18+$0x70]  }
0x23: {  	[tilespmem:s18+$0x10] =	vst v6;
	v6 =	vsel vm10, $0x3F800000, v0;
	vm11 =	vgt.f32 v3, $6.999999880e-01  }
0x24: {  	[tilespmem:s18+$0x20] =	vst v6;
	v3 =	vsel vm11, $0x3F800000, v0;
	vm12 =	vgt.f32 v1, $6.999999880e-01  }
0x25: {  	[tilespmem:s18+$0x30] =	vst v3;
	v1 =	vsel vm12, $0x3F800000, v0;
	vm13 =	vgt.f32 v2, $6.999999880e-01  }
0x26: {  	[tilespmem:s18+$0x40] =	vst v1;
	v1 =	vsel vm13, $0x3F800000, v0;
	vm14 =	vgt.f32 v4, $6.999999880e-01  }
0x27: {  	[tilespmem:s18+$0x50] =	vst v1;
	v1 =	vsel vm14, $0x3F800000, v0;
	vm15 =	vgt.f32 v5, $6.999999880e-01  }
0x28: {  	v7 =	vmov v0;
	v9 =	vmov v0;
	[tilespmem:s18+$0x60] =	vst v1;
	v1 =	vsel vm15, $0x3F800000, v0  }
0x29: {  	v8 =	vmovc v0;
	v10 =	vmovc v0;
	s19 =	simm.s32 $0x0;
	v2 =	vmov v0;
	v4 =	vmov v0;
	v5 =	vmov v0;
	[tilespmem:s18+$0x70] =	vst v1;
	s18 =	simm.s32 $0x0  }
.LBB2_4:
0x2a: {  	s21 =	sshll.u32 s19, $0xF  }
0x2b: {  	_ =	swait.ge [sflag:s13], $0x4000;
	s20 =	sadd.s32 s21, s6  }
0x2c: {  	[sflag:s13] =	ssyncset.done $0x0;
	s20 =	sshrl.u32 s20, $0x3  }
0x2d: {  	s31 =	sshll.u32 s19, $0xE;
	[sflag:s13] =	ssyncadd.s32 $0xFFFFC000;
	s20 =	sadd.s32 s1, s20  }
0x2e: {  	[tilespmem:s14], [sflag:$0x2] =	stream.linear.gather [hbm4b:s20+s18], $0x4000, $0x38;
	[tilespmem:$0xD400] =	vst v63  }
0x2f: {  	s22 =	sand.u32 $0x780, s18;
	s23 =	sand.u32 $0x40, s18;
	s20 =	sshra.s32 s31, $0x2  }
0x30: {  	s24 =	sor.u32 $0x30, s23;
	s22 =	sadd.s32 s22, s20  }
0x31: {  	s25 =	sor.u32 $0x20, s23;
	s26 =	sadd.s32 s24, s22  }
0x32: {  	s28 =	sor.u32 $0x10, s23;
	s29 =	sadd.s32 s25, s22;
	v1 =	vld [tilespmem:s26+$0x0]  }
0x33: {  	s0 =	sand.u32 $0x3C00, s18;
	s30 =	sadd.s32 s28, s22;
	v3 =	vld [tilespmem:s29+$0x0]  }
0x34: {  	s22 =	sadd.s32 s23, s22;
	s26 =	sadd.s32 $0x5000, s0;
	v6 =	vld [tilespmem:s30+$0x0]  }
0x35: {  	v11 =	vld [tilespmem:s22+$0x0];
	s30 =	sor.u32 s24, s26  }
0x36: {  	v12 =	vld [tilespmem:s30+$0x0]  }
0x37: {  	v13 =	vld [tilespmem:s30+$0x80]  }
0x38: {  	v16 =	vld [tilespmem:s30+$0x100]  }
0x39: {  	s31 =	sor.u32 s25, s26;
	v17 =	vld [tilespmem:s30+$0x180]  }
0x3a: {  	v18 =	vld [tilespmem:s31+$0x0]  }
0x3b: {  	v20 =	vld [tilespmem:s31+$0x80]  }
0x3c: {  	v21 =	vld [tilespmem:s31+$0x100]  }
0x3d: {  	s0 =	sor.u32 s28, s26;
	v24 =	vld [tilespmem:s31+$0x180]  }
0x3e: {  	v25 =	vld [tilespmem:s0+$0x0]  }
0x3f: {  	v26 =	vld [tilespmem:s0+$0x80]  }
0x40: {  	v27 =	vld [tilespmem:s0+$0x100]  }
0x41: {  	p0 =	por $0x0, $0x0;
	s22 =	simm.s32 $0x1;
	s23 =	sor.u32 s23, s26;
	v30 =	vld [tilespmem:s0+$0x180]  }
0x42: {  	s22 =	simm.s32 @!p0 $0x0;
	v31 =	vld [tilespmem:s23+$0x0]  }
0x43: {  	s22 =	sshll.u32 s22, $0x6;
	v33 =	vld [tilespmem:s23+$0x80]  }
0x44: {  	v34 =	vld [tilespmem:s23+$0x100];
	s25 =	sadd.s32 $0x0, s22;
	v15 =	vmul.f32 v12, v1;
	v14 =	vmul.f32 v13, v1  }
0x45: {  	v35 =	vld [tilespmem:s23+$0x180];
	s22 =	sor.u32 $0x200, s25;
	v12 =	vmul.f32 v16, v1;
	v13 =	vmul.f32 v17, v1  }
0x46: {  	s24 =	sor.u32 $0x280, s25;
	v22 =	vld [tilespmem:s22+$0x5000];
	v19 =	vmul.f32 v18, v3;
	v17 =	vmul.f32 v20, v3  }
0x47: {  	s26 =	sor.u32 $0x300, s25;
	v23 =	vld [tilespmem:s24+$0x5000];
	v18 =	vmul.f32 v21, v3;
	v16 =	vmul.f32 v24, v3  }
0x48: {  	s29 =	sor.u32 $0x380, s25;
	s24 =	sadd.s32 $0x30, s25;
	v24 =	vld [tilespmem:s26+$0x5000];
	v28 =	vmul.f32 v25, v6;
	v26 =	vmul.f32 v26, v6  }
0x49: {  	s30 =	sor.u32 $0x200, s24;
	v25 =	vld [tilespmem:s29+$0x5000];
	v29 =	vmul.f32 v27, v6;
	v27 =	vmul.f32 v30, v6  }
0x4a: {  	s31 =	sor.u32 $0x280, s24;
	v32 =	vmul.f32 v31, v11;
	v30 =	vmul.f32 v33, v11;
	s26 =	sadd.s32 $0x20, s25;
	v20 =	vld [tilespmem:s30+$0x5000]  }
0x4b: {  	s23 =	simm.s32 $0x0;
	s22 =	simm.s32 $0x40;
	v33 =	vmul.f32 v34, v11;
	v31 =	vmul.f32 v35, v11;
	v21 =	vld [tilespmem:s31+$0x5000];
	s28 =	sor.u32 $0x200, s26  }
.LBB2_5:
0x4c: {  	p1 =	sne.s32 s22, $0x7C0;
	v22 =	vmul.f32 v22, v11;
	v23 =	vmul.f32 v23, v11;
	s25 =	sadd.s32 $0x10, s25;
	v34 =	vld [tilespmem:s28+$0x5000];
	s28 =	sor.u32 $0x280, s26  }
0x4d: {  	v10 =	vadd.f32 v32, v10;
	v8 =	vadd.f32 v30, v8;
	v24 =	vmul.f32 v24, v11;
	s29 =	sor.u32 $0x200, s25;
	v30 =	vld [tilespmem:s28+$0x5000]  }
0x4e: {  	v9 =	vadd.f32 v33, v9;
	v7 =	vadd.f32 v31, v7;
	s28 =	sor.u32 $0x280, s25;
	v11 =	vmul.f32 v25, v11;
	v25 =	vld [tilespmem:s29+$0x5000]  }
0x4f: {  	v10 =	vadd.f32 v28, v10;
	v8 =	vadd.f32 v26, v8;
	v26 =	vld [tilespmem:s28+$0x5000];
	s28 =	sor.u32 $0x300, s25;
	v20 =	vmul.f32 v20, v1  }
0x50: {  	v9 =	vadd.f32 v29, v9;
	v7 =	vadd.f32 v27, v7;
	s25 =	sor.u32 $0x380, s25;
	v27 =	vld [tilespmem:s28+$0x5000];
	v21 =	vmul.f32 v21, v1  }
0x51: {  	v10 =	vadd.f32 v19, v10;
	v8 =	vadd.f32 v17, v8;
	v28 =	vld [tilespmem:s25+$0x5000];
	v17 =	vmul.f32 v34, v3;
	s25 =	sor.u32 $0x300, s26  }
0x52: {  	v9 =	vadd.f32 v18, v9;
	v7 =	vadd.f32 v16, v7;
	s26 =	sor.u32 $0x380, s26;
	v16 =	vmul.f32 v30, v3;
	v18 =	vld [tilespmem:s25+$0x5000]  }
0x53: {  	s28 =	sand.u32 $0x780, s22;
	s25 =	sand.u32 $0x40, s22;
	v10 =	vadd.f32 v15, v10;
	v8 =	vadd.f32 v14, v8;
	v19 =	vmul.f32 v25, v6;
	v25 =	vld [tilespmem:s26+$0x5000];
	s26 =	sor.u32 $0x300, s24  }
0x54: {  	s28 =	sadd.s32 s28, s20;
	s29 =	sor.u32 $0x30, s25;
	v9 =	vadd.f32 v12, v9;
	v7 =	vadd.f32 v13, v7;
	s24 =	sor.u32 $0x380, s24;
	v14 =	vmul.f32 v26, v6;
	v12 =	vld [tilespmem:s26+$0x5000]  }
0x55: {  	v5 =	vadd.f32 v22, v5;
	v4 =	vadd.f32 v23, v4;
	s26 =	sor.u32 $0x20, s25;
	s30 =	sadd.s32 s29, s28;
	v13 =	vmul.f32 v27, v6;
	v15 =	vld [tilespmem:s24+$0x5000]  }
0x56: {  	s23 =	sadd.s32 $0x200, s23;
	v2 =	vadd.f32 v24, v2;
	v0 =	vadd.f32 v11, v0;
	s24 =	sor.u32 $0x10, s25;
	s31 =	sadd.s32 s26, s28;
	v22 =	vld [tilespmem:s30+$0x0];
	v11 =	vmul.f32 v28, v6  }
0x57: {  	v5 =	vadd.f32 v19, v5;
	s30 =	sand.u32 $0x3C00, s23;
	s0 =	sadd.s32 s24, s28;
	v4 =	vadd.f32 v14, v4;
	v23 =	vld [tilespmem:s31+$0x0];
	v14 =	vmul.f32 v18, v3  }
0x58: {  	s28 =	sadd.s32 s25, s28;
	s30 =	sadd.s32 $0x5000, s30;
	v2 =	vadd.f32 v13, v2;
	v6 =	vld [tilespmem:s0+$0x0];
	v0 =	vadd.f32 v11, v0;
	v3 =	vmul.f32 v25, v3  }
0x59: {  	v5 =	vadd.f32 v17, v5;
	s0 =	sor.u32 s29, s30;
	v4 =	vadd.f32 v16, v4;
	v11 =	vld [tilespmem:s28+$0x0];
	v12 =	vmul.f32 v12, v1  }
0x5a: {  	v2 =	vadd.f32 v14, v2;
	v13 =	vld [tilespmem:s0+$0x0];
	v0 =	vadd.f32 v3, v0;
	v15 =	vmul.f32 v15, v1  }
0x5b: {  	v5 =	vadd.f32 v20, v5;
	v4 =	vadd.f32 v21, v4;
	v14 =	vld [tilespmem:s0+$0x80];
	v1 =	vmov v22  }
0x5c: {  	v2 =	vadd.f32 v12, v2;
	v16 =	vld [tilespmem:s0+$0x100];
	v0 =	vadd.f32 v15, v0;
	v3 =	vmov v23  }
0x5d: {  	s26 =	sor.u32 s26, s30;
	v17 =	vld [tilespmem:s0+$0x180]  }
0x5e: {  	v18 =	vld [tilespmem:s26+$0x0]  }
0x5f: {  	v20 =	vld [tilespmem:s26+$0x80]  }
0x60: {  	v21 =	vld [tilespmem:s26+$0x100]  }
0x61: {  	s0 =	sor.u32 s24, s30;
	v24 =	vld [tilespmem:s26+$0x180]  }
0x62: {  	v25 =	vld [tilespmem:s0+$0x0]  }
0x63: {  	v26 =	vld [tilespmem:s0+$0x80]  }
0x64: {  	v27 =	vld [tilespmem:s0+$0x100]  }
0x65: {  	p0 =	por !p0, !p0;
	s24 =	sor.u32 s25, s30;
	v30 =	vld [tilespmem:s0+$0x180];
	s0 =	simm.s32 $0x1  }
0x66: {  	s0 =	simm.s32 @!p0 $0x0;
	v31 =	vld [tilespmem:s24+$0x0]  }
0x67: {  	s0 =	sshll.u32 s0, $0x6;
	v33 =	vld [tilespmem:s24+$0x80]  }
0x68: {  	v15 =	vmul.f32 v13, v1;
	v14 =	vmul.f32 v14, v1;
	s25 =	sadd.s32 s0, s23;
	v34 =	vld [tilespmem:s24+$0x100]  }
0x69: {  	v12 =	vmul.f32 v16, v1;
	v13 =	vmul.f32 v17, v1;
	v35 =	vld [tilespmem:s24+$0x180];
	s0 =	sor.u32 $0x200, s25  }
0x6a: {  	v19 =	vmul.f32 v18, v3;
	v17 =	vmul.f32 v20, v3;
	v22 =	vld [tilespmem:s0+$0x5000];
	s0 =	sor.u32 $0x280, s25  }
.Ltmp1:
0x6b: {  	v18 =	vmul.f32 v21, v3;
	v16 =	vmul.f32 v24, v3;
	v23 =	vld [tilespmem:s0+$0x5000];
	s0 =	sor.u32 $0x300, s25;
	(pc) =	sbr.rel @p1 .LBB2_5-.Ltmp1, $4  }
0x6c: {  	v28 =	vmul.f32 v25, v6;
	v26 =	vmul.f32 v26, v6;
	s24 =	sadd.s32 $0x30, s25;
	v24 =	vld [tilespmem:s0+$0x5000];
	s0 =	sor.u32 $0x380, s25  }
0x6d: {  	v29 =	vmul.f32 v27, v6;
	v27 =	vmul.f32 v30, v6;
	v25 =	vld [tilespmem:s0+$0x5000];
	s0 =	sor.u32 $0x200, s24  }
0x6e: {  	s26 =	sadd.s32 $0x20, s25;
	v32 =	vmul.f32 v31, v11;
	v30 =	vmul.f32 v33, v11;
	v20 =	vld [tilespmem:s0+$0x5000];
	s0 =	sor.u32 $0x280, s24  }
0x6f: {  	s22 =	sadd.s32 $0x40, s22;
	s28 =	sor.u32 $0x200, s26;
	v33 =	vmul.f32 v34, v11;
	v31 =	vmul.f32 v35, v11;
	v21 =	vld [tilespmem:s0+$0x5000]  }
0x70: {  	v34 =	vld [tilespmem:s28+$0x5000];
	s22 =	sor.u32 $0x280, s26  }
0x71: {  	s31 =	sor.u32 $0x300, s26;
	v35 =	vld [tilespmem:s22+$0x5000]  }
0x72: {  	s0 =	sadd.s32 $0x10, s25;
	s25 =	sor.u32 $0x380, s24;
	v40 =	vld [tilespmem:s31+$0x5000]  }
0x73: {  	s23 =	sor.u32 $0x200, s0;
	v43 =	vld [tilespmem:s25+$0x5000]  }
0x74: {  	s29 =	sor.u32 $0x280, s0;
	v36 =	vld [tilespmem:s23+$0x5000]  }
0x75: {  	s30 =	sor.u32 $0x300, s0;
	v37 =	vld [tilespmem:s29+$0x5000]  }
0x76: {  	s0 =	sor.u32 $0x380, s0;
	v38 =	vld [tilespmem:s30+$0x5000]  }
0x77: {  	s22 =	sor.u32 $0x380, s26;
	v39 =	vld [tilespmem:s0+$0x5000]  }
0x78: {  	p0 =	seq.s32 s19, $0x4;
	s26 =	sadd.s32 s21, s7;
	v41 =	vld [tilespmem:s22+$0x5000];
	s23 =	sor.u32 $0x300, s24  }
0x79: {  	s21 =	simm.s32 $0x0;
	s0 =	sshrl.u32 s26, $0x3;
	v42 =	vld [tilespmem:s23+$0x5000];
	_ =	swait.ge [sflag:s12], $0x4000  }
0x7a: {  	s22 =	sand.u32 $0x40, s21;
	s0 =	sadd.s32 s1, s0;
	[sflag:s12] =	ssyncset.done $0x0  }
0x7b: {  	s28 =	sand.u32 $0x3C00, s21;
	s0 =	smov.u32 @p0 s8;
	[sflag:s12] =	ssyncadd.s32 $0xFFFFC000  }
0x7c: {  	[tilespmem:s11], [sflag:$0x1] =	stream.linear.gather [hbm4b:s0+s21], $0x4000, $0x38;
	[tilespmem:$0xD400] =	vst v63  }
0x7d: {  	s23 =	sor.u32 $0x30, s22;
	s0 =	sadd.s32 $0x9000, s28  }
0x7e: {  	s29 =	sor.u32 s23, s0  }
0x7f: {  	v44 =	vld [tilespmem:s29+$0x0]  }
0x80: {  	v45 =	vld [tilespmem:s29+$0x80]  }
0x81: {  	v10 =	vadd.f32 v32, v10;
	s25 =	sor.u32 $0x20, s22;
	v57 =	vld [tilespmem:s29+$0x100]  }
0x82: {  	v8 =	vadd.f32 v30, v8;
	v9 =	vadd.f32 v33, v9;
	s30 =	sor.u32 s25, s0;
	v30 =	vld [tilespmem:s29+$0x180]  }
0x83: {  	v7 =	vadd.f32 v31, v7;
	v10 =	vadd.f32 v28, v10;
	v28 =	vld [tilespmem:s30+$0x0]  }
0x84: {  	v8 =	vadd.f32 v26, v8;
	v9 =	vadd.f32 v29, v9;
	v29 =	vld [tilespmem:s30+$0x80]  }
0x85: {  	v7 =	vadd.f32 v27, v7;
	s24 =	sor.u32 $0x10, s22;
	v10 =	vadd.f32 v19, v10;
	v27 =	vld [tilespmem:s30+$0x100]  }
0x86: {  	v8 =	vadd.f32 v17, v8;
	v17 =	vmul.f32 v22, v11;
	v9 =	vadd.f32 v18, v9;
	s31 =	sor.u32 s24, s0;
	v18 =	vld [tilespmem:s30+$0x180]  }
0x87: {  	s20 =	sadd.s32 $0x800, s20;
	v19 =	vmul.f32 v24, v11;
	v24 =	vmul.f32 v21, v1;
	v22 =	vld [tilespmem:s31+$0x0]  }
0x88: {  	[dreg:$0x3] =	wrdreg s20;
	v16 =	vadd.f32 v16, v7;
	v7 =	vadd.f32 v15, v10;
	v15 =	vmul.f32 v23, v11;
	v23 =	vld [tilespmem:s31+$0x80]  }
0x89: {  	v8 =	vadd.f32 v14, v8;
	v11 =	vmul.f32 v25, v11;
	v5 =	vadd.f32 v17, v5;
	s29 =	rddreg [dreg:$0x3];
	s30 =	sand.u32 $0x780, s21;
	v31 =	vld [tilespmem:s31+$0x100]  }
0x8a: {  	v2 =	vadd.f32 v19, v2;
	v17 =	vmul.f32 v20, v1;
	v62 =	vmul.f32 v43, v1;
	s0 =	sor.u32 s22, s0;
	v58 =	vld [tilespmem:s31+$0x180];
	s26 =	sadd.s32 s30, s29  }
0x8b: {  	v9 =	vadd.f32 v12, v9;
	v10 =	vadd.f32 v13, v16;
	v12 =	vmul.f32 v36, v6;
	v59 =	vld [tilespmem:s0+$0x0];
	s31 =	sadd.s32 s23, s26  }
0x8c: {  	v13 =	vmul.f32 v37, v6;
	v14 =	vmul.f32 v38, v6;
	v11 =	vadd.f32 v11, v0;
	v0 =	vld [tilespmem:s31+$0x0]  }
0x8d: {  	v6 =	vmul.f32 v39, v6;
	v16 =	vmul.f32 v40, v3;
	v4 =	vadd.f32 v15, v4;
	v60 =	vld [tilespmem:s0+$0x80];
	s23 =	sadd.s32 s25, s26  }
0x8e: {  	s20 =	simm.s32 $0x1;
	p0 =	por $0x0, $0x0;
	v5 =	vadd.f32 v12, v5;
	v12 =	vmul.f32 v34, v3;
	v15 =	vadd.f32 v14, v2;
	v2 =	vld [tilespmem:s23+$0x0]  }
0x8f: {  	s20 =	simm.s32 @!p0 $0x0;
	v20 =	vld [tilespmem:s0+$0x100];
	v61 =	vmul.f32 v42, v1;
	v4 =	vadd.f32 v13, v4;
	v13 =	vmul.f32 v35, v3;
	s24 =	sadd.s32 s24, s26  }
0x90: {  	s20 =	sshll.u32 s20, $0x6;
	v6 =	vadd.f32 v6, v11;
	v3 =	vmul.f32 v41, v3;
	v25 =	vadd.f32 v12, v5;
	v5 =	vld [tilespmem:s24+$0x0]  }
0x91: {  	v21 =	vld [tilespmem:s0+$0x180];
	s25 =	sadd.s32 s22, s26;
	s24 =	sadd.s32 $0x0, s20;
	v4 =	vadd.f32 v13, v4;
	v13 =	vmul.f32 v44, v0;
	v14 =	vmul.f32 v45, v0  }
0x92: {  	v63 =	vadd.f32 v16, v15;
	v19 =	vld [tilespmem:s25+$0x0];
	s26 =	sor.u32 $0x200, s24;
	v11 =	vmul.f32 v57, v0;
	v12 =	vmul.f32 v30, v0  }
0x93: {  	v6 =	vadd.f32 v3, v6;
	s28 =	sor.u32 $0x280, s24;
	v26 =	vld [tilespmem:s26+$0x9000];
	v15 =	vmul.f32 v28, v2;
	v16 =	vmul.f32 v29, v2  }
0x94: {  	s29 =	sor.u32 $0x300, s24;
	v1 =	vadd.f32 v17, v25;
	v30 =	vld [tilespmem:s28+$0x9000];
	v17 =	vmul.f32 v27, v2;
	v18 =	vmul.f32 v18, v2  }
0x95: {  	s30 =	sor.u32 $0x380, s24;
	s22 =	sadd.s32 $0x30, s24;
	v3 =	vadd.f32 v24, v4;
	v27 =	vld [tilespmem:s29+$0x9000];
	v24 =	vmul.f32 v22, v5;
	v25 =	vmul.f32 v23, v5  }
0x96: {  	s31 =	sor.u32 $0x200, s22;
	v4 =	vadd.f32 v61, v63;
	v28 =	vld [tilespmem:s30+$0x9000];
	v22 =	vmul.f32 v31, v5;
	v23 =	vmul.f32 v58, v5  }
0x97: {  	s20 =	simm.s32 $0x40;
	s23 =	sadd.s32 $0x20, s24;
	s25 =	sor.u32 $0x280, s22;
	v6 =	vadd.f32 v62, v6;
	v31 =	vmul.f32 v59, v19;
	v32 =	vmul.f32 v60, v19;
	v29 =	vld [tilespmem:s31+$0x9000]  }
.LBB2_7:
0x98: {  	_ = 	snop  }
0x99: {  	s0 =	sor.u32 $0x200, s23;
	v33 =	vld [tilespmem:s25+$0x9000];
	v8 =	vadd.f32 v32, v8  }
0x9a: {  	s24 =	sadd.s32 $0x10, s24;
	s25 =	sor.u32 $0x280, s23;
	v34 =	vld [tilespmem:s0+$0x9000]  }
0x9b: {  	v7 =	vadd.f32 v31, v7;
	v31 =	vld [tilespmem:s25+$0x9000];
	s30 =	sor.u32 $0x380, s24;
	v8 =	vadd.f32 v25, v8;
	v20 =	vmul.f32 v20, v19  }
0x9c: {  	s31 =	sor.u32 $0x300, s23;
	s21 =	sadd.s32 $0x200, s21;
	s26 =	sor.u32 $0x200, s24;
	v25 =	vld [tilespmem:s30+$0x9000];
	v21 =	vmul.f32 v21, v19  }
0x9d: {  	s28 =	sor.u32 $0x280, s24;
	s29 =	sor.u32 $0x300, s24;
	s24 =	sor.u32 $0x380, s23;
	v8 =	vadd.f32 v16, v8;
	v9 =	vadd.f32 v20, v9;
	v20 =	vld [tilespmem:s26+$0x9000]  }
0x9e: {  	s23 =	sand.u32 $0x40, s20;
	s25 =	sand.u32 $0x3C00, s21;
	v10 =	vadd.f32 v21, v10;
	v21 =	vld [tilespmem:s28+$0x9000];
	s28 =	sor.u32 $0x380, s22  }
0x9f: {  	s25 =	sadd.s32 $0x9000, s25;
	s30 =	sor.u32 $0x10, s23;
	v8 =	vadd.f32 v14, v8;
	v14 =	vld [tilespmem:s28+$0x9000]  }
0xa0: {  	s28 =	sor.u32 s30, s25;
	v9 =	vadd.f32 v22, v9;
	v22 =	vld [tilespmem:s29+$0x9000]  }
0xa1: {  	v7 =	vadd.f32 v24, v7;
	v24 =	vmul.f32 v29, v0;
	v29 =	vld [tilespmem:s28+$0x100]  }
0xa2: {  	v16 =	vmul.f32 v31, v2;
	v10 =	vadd.f32 v23, v10;
	v31 =	vld [tilespmem:s28+$0x180]  }
0xa3: {  	v26 =	vmul.f32 v26, v19;
	v9 =	vadd.f32 v17, v9;
	v17 =	vld [tilespmem:s31+$0x9000]  }
0xa4: {  	v30 =	vmul.f32 v30, v19;
	s26 =	sor.u32 $0x300, s22;
	v10 =	vadd.f32 v18, v10;
	v18 =	vmul.f32 v20, v5;
	v20 =	vld [tilespmem:s24+$0x9000];
	s24 =	sor.u32 $0x30, s23  }
0xa5: {  	v27 =	vmul.f32 v27, v19;
	v19 =	vmul.f32 v28, v19;
	v9 =	vadd.f32 v11, v9;
	v11 =	vld [tilespmem:s26+$0x9000];
	s29 =	sor.u32 s24, s25  }
0xa6: {  	s0 =	sor.u32 $0x20, s23;
	v1 =	vadd.f32 v26, v1;
	v10 =	vadd.f32 v12, v10;
	v12 =	vmul.f32 v22, v5;
	v22 =	vld [tilespmem:s29+$0x0]  }
0xa7: {  	v7 =	vadd.f32 v15, v7;
	v6 =	vadd.f32 v19, v6;
	s26 =	sor.u32 s0, s25;
	v19 =	vld [tilespmem:s29+$0x80]  }
0xa8: {  	v3 =	vadd.f32 v30, v3;
	v1 =	vadd.f32 v18, v1;
	v18 =	vld [tilespmem:s26+$0x100]  }
0xa9: {  	v7 =	vadd.f32 v13, v7;
	v13 =	vmul.f32 v21, v5;
	s25 =	sor.u32 s23, s25;
	v5 =	vmul.f32 v25, v5;
	v25 =	vld [tilespmem:s28+$0x80]  }
0xaa: {  	v4 =	vadd.f32 v27, v4;
	v62 =	vld [tilespmem:s25+$0x0]  }
0xab: {  	v15 =	vmul.f32 v34, v2;
	v3 =	vadd.f32 v13, v3;
	v13 =	vmul.f32 v17, v2;
	v17 =	vld [tilespmem:s29+$0x100]  }
0xac: {  	v4 =	vadd.f32 v12, v4;
	v12 =	vld [tilespmem:s29+$0x180]  }
0xad: {  	v23 =	vmul.f32 v33, v0;
	v1 =	vadd.f32 v15, v1;
	v3 =	vadd.f32 v16, v3;
	v15 =	vld [tilespmem:s26+$0x0]  }
0xae: {  	s31 =	rddreg [dreg:$0x3];
	v5 =	vadd.f32 v5, v6;
	v16 =	vld [tilespmem:s26+$0x80];
	s29 =	sand.u32 $0x780, s20;
	v2 =	vmul.f32 v20, v2  }
0xaf: {  	v6 =	vmul.f32 v11, v0;
	v4 =	vadd.f32 v13, v4;
	v3 =	vadd.f32 v23, v3;
	v23 =	vld [tilespmem:s26+$0x180];
	s26 =	sadd.s32 s29, s31  }
0xb0: {  	v0 =	vmul.f32 v14, v0;
	v1 =	vadd.f32 v24, v1;
	v24 =	vld [tilespmem:s28+$0x0];
	v2 =	vadd.f32 v2, v5;
	s22 =	sadd.s32 s30, s26  }
0xb1: {  	s24 =	sadd.s32 s24, s26;
	v5 =	vld [tilespmem:s22+$0x0]  }
0xb2: {  	s0 =	sadd.s32 s0, s26;
	v4 =	vadd.f32 v6, v4;
	v6 =	vadd.f32 v0, v2;
	v0 =	vld [tilespmem:s24+$0x0]  }
0xb3: {  	p0 =	por !p0, !p0;
	v2 =	vld [tilespmem:s0+$0x0];
	s0 =	simm.s32 $0x1  }
0xb4: {  	v63 =	vld [tilespmem:s25+$0x80];
	s0 =	simm.s32 @!p0 $0x0  }
0xb5: {  	v21 =	vld [tilespmem:s25+$0x180];
	s0 =	sshll.u32 s0, $0x6  }
0xb6: {  	v20 =	vld [tilespmem:s25+$0x100];
	s23 =	sadd.s32 s23, s26;
	s24 =	sadd.s32 s0, s21;
	v24 =	vmul.f32 v24, v5;
	v25 =	vmul.f32 v25, v5  }
0xb7: {  	p1 =	sne.s32 s20, $0x7C0;
	s26 =	sor.u32 $0x200, s24;
	v13 =	vmul.f32 v22, v0;
	v14 =	vmul.f32 v19, v0;
	v19 =	vld [tilespmem:s23+$0x0]  }
.Ltmp2:
0xb8: {  	s28 =	sor.u32 $0x280, s24;
	v11 =	vmul.f32 v17, v0;
	v12 =	vmul.f32 v12, v0;
	v26 =	vld [tilespmem:s26+$0x9000];
	(pc) =	sbr.rel @p1 .LBB2_7-.Ltmp2, $4  }
0xb9: {  	s29 =	sor.u32 $0x300, s24;
	v15 =	vmul.f32 v15, v2;
	v16 =	vmul.f32 v16, v2;
	v30 =	vld [tilespmem:s28+$0x9000]  }
0xba: {  	s30 =	sor.u32 $0x380, s24;
	s22 =	sadd.s32 $0x30, s24;
	v17 =	vmul.f32 v18, v2;
	v18 =	vmul.f32 v23, v2;
	v27 =	vld [tilespmem:s29+$0x9000]  }
0xbb: {  	v28 =	vld [tilespmem:s30+$0x9000];
	v22 =	vmul.f32 v29, v5;
	v23 =	vmul.f32 v31, v5;
	s31 =	sor.u32 $0x200, s22  }
0xbc: {  	s20 =	sadd.s32 $0x40, s20;
	s23 =	sadd.s32 $0x20, s24;
	s25 =	sor.u32 $0x280, s22;
	v29 =	vld [tilespmem:s31+$0x9000];
	v31 =	vmul.f32 v62, v19;
	v32 =	vmul.f32 v63, v19  }
0xbd: {  	v20 =	vmul.f32 v20, v19;
	s0 =	sor.u32 $0x200, s23;
	v33 =	vld [tilespmem:s25+$0x9000]  }
0xbe: {  	v21 =	vmul.f32 v21, v19;
	v26 =	vmul.f32 v26, v19;
	s20 =	sadd.s32 $0x10, s24;
	s31 =	sor.u32 $0x280, s23;
	v34 =	vld [tilespmem:s0+$0x9000];
	v7 =	vadd.f32 v31, v7  }
0xbf: {  	v8 =	vadd.f32 v32, v8;
	s21 =	sor.u32 $0x200, s20;
	v46 =	vld [tilespmem:s31+$0x9000];
	v9 =	vadd.f32 v20, v9  }
0xc0: {  	v30 =	vmul.f32 v30, v19;
	s24 =	sor.u32 $0x280, s20;
	v10 =	vadd.f32 v21, v10;
	v48 =	vld [tilespmem:s21+$0x9000];
	v1 =	vadd.f32 v26, v1  }
0xc1: {  	s25 =	sor.u32 $0x300, s20;
	v27 =	vmul.f32 v27, v19;
	v49 =	vld [tilespmem:s24+$0x9000];
	v7 =	vadd.f32 v24, v7;
	v8 =	vadd.f32 v25, v8  }
0xc2: {  	s26 =	sor.u32 $0x380, s20;
	v51 =	vld [tilespmem:s25+$0x9000];
	v3 =	vadd.f32 v30, v3;
	v9 =	vadd.f32 v22, v9  }
0xc3: {  	s28 =	sor.u32 $0x300, s23;
	v53 =	vld [tilespmem:s26+$0x9000];
	v47 =	vmul.f32 v28, v19;
	v10 =	vadd.f32 v23, v10;
	v4 =	vadd.f32 v27, v4  }
0xc4: {  	s29 =	sor.u32 $0x380, s23;
	v57 =	vld [tilespmem:s28+$0x9000];
	v7 =	vadd.f32 v15, v7;
	v8 =	vadd.f32 v16, v8  }
0xc5: {  	v58 =	vld [tilespmem:s29+$0x9000];
	v6 =	vadd.f32 v47, v6;
	v54 =	vmul.f32 v34, v2;
	v9 =	vadd.f32 v17, v9  }
0xc6: {  	s31 =	sor.u32 $0x380, s22;
	v55 =	vadd.f32 v18, v10;
	v56 =	vmul.f32 v46, v2;
	v20 =	vmul.f32 v48, v5  }
0xc7: {  	s30 =	sor.u32 $0x300, s22;
	v61 =	vld [tilespmem:s31+$0x9000];
	v10 =	vadd.f32 v13, v7;
	v8 =	vadd.f32 v14, v8;
	v59 =	vmul.f32 v49, v5  }
0xc8: {  	v60 =	vmul.f32 v51, v5;
	v5 =	vmul.f32 v53, v5;
	v9 =	vadd.f32 v11, v9;
	v11 =	vld [tilespmem:s30+$0x9000]  }
0xc9: {  	s19 =	sadd.s32 $0x1, s19;
	v62 =	vmul.f32 v57, v2;
	v7 =	vadd.f32 v12, v55;
	v1 =	vadd.f32 v20, v1  }
0xca: {  	p0 =	sne.s32 s19, $0x5;
	v2 =	vmul.f32 v58, v2;
	v3 =	vadd.f32 v59, v3;
	v5 =	vadd.f32 v5, v6  }
.Ltmp3:
0xcb: {  	v50 =	vmul.f32 v29, v0;
	v4 =	vadd.f32 v60, v4;
	v1 =	vadd.f32 v54, v1;
	(pc) =	sbr.rel @p0 .LBB2_4-.Ltmp3, $4  }
0xcc: {  	v52 =	vmul.f32 v33, v0;
	v3 =	vadd.f32 v56, v3;
	v63 =	vadd.f32 v2, v5  }
0xcd: {  	v6 =	vmul.f32 v11, v0;
	v11 =	vadd.f32 v62, v4;
	v0 =	vmul.f32 v61, v0  }
0xce: {  	v5 =	vadd.f32 v50, v1;
	v4 =	vadd.f32 v52, v3  }
0xcf: {  	v2 =	vadd.f32 v6, v11;
	v0 =	vadd.f32 v0, v63  }
0xd0: {  	[tilespmem:$0xD000] =	vst v10  }
0xd1: {  	[tilespmem:$0xD080] =	vst v8  }
0xd2: {  	[tilespmem:$0xD100] =	vst v9  }
0xd3: {  	[tilespmem:$0xD180] =	vst v7  }
0xd4: {  	[tilespmem:$0xD200] =	vst v5  }
0xd5: {  	[tilespmem:$0xD280] =	vst v4  }
0xd6: {  	[tilespmem:$0xD300] =	vst v2  }
0xd7: {  	[tilespmem:$0xD380] =	vst v0  }
0xd8: {  	s17 =	sadd.s32 $0x1, s17;
	_ =	swait.ge [sflag:s13], $0x4000  }
0xd9: {  	p0 =	sne.s32 s17, s10;
	[sflag:s13] =	ssyncset.done $0x0  }
.Ltmp4:
0xda: {  	[sflag:s13] =	ssyncadd.s32 $0xFFFFC000;
	(pc) =	sbr.rel @p0 .LBB2_1-.Ltmp4, $4  }
0xdb: {  	[hbm4b:s9+s3] =	stream.linear.scatter [tilespmem:s15], [sflag:$0x3], $0x400, $0x38;
	[tilespmem:$0xD400] =	vst v63  }
0xdc: {  	_ =	swait.ge [sflag:s16], $0x400  }
0xdd: {  	[sflag:s16] =	ssyncset.done $0x0  }
0xde: {  	[sflag:s16] =	ssyncadd.s32 $0xFFFFFC00  }
0xdf: {  	_ =	sfence.sel $0x180000  }
0xe0: {  	[bflag:$0x0] =	sbarrier.arrive $0xFFFF  }
0xe1: {  	_ =	strace $0x90000047  }
0xe2: {  	[bflag:$0x2] =	sbarrier.arrive $0xFFFF  }
0xe3: {  	p0 =	sne.s32 s2, $0x0;
	s0 =	rddreg [dreg:$0x2]  }
0xe4: {  	s0 =	sadd.s32 @!p0 $0x100000, s0  }
0xe5: {  	[sflag:s0] =	ssyncadd.tile.s32 @!p0 $0x1;
	_ =	shalt  }
.Lfunc_end2:
_tile_overlayer_lowered:
.L_overlay_start_2:
0xe6: {  	(tag) =	ssettag $0x2  }
0xe7: {  	s0 =	rddreg [dreg:$0x0];
	s2 =	stileid.u32  }
0xe8: {  	s1 =	rddreg [dreg:$0x1];
	p0 =	sne.s32 s2, $0x0  }
0xe9: {  	s3 =	rddreg [dreg:$0x2];
	[bflag:$0x3] =	sbarrier.arrive $0xFFFF;
	s2 =	simm.s32 @!p0 $0x1C03  }
0xea: {  	[timem:s3], [sflag:s2] =	dma.local @!p0 [hbm:s0], s1  }
0xeb: {  	s0 =	simm.s32 @!p0 $0x3  }
0xec: {  	_ =	swait.ge @!p0 [sflag:s0], s1  }
0xed: {  	s1 =	ssub.s32 @!p0 $0x0, s1;
	[sflag:s0] =	ssyncset.done @!p0 $0x0  }
0xee: {  	[sflag:s0] =	ssyncadd.s32 @!p0 s1  }
0xef: {  	[bflag:$0x3] =	sbarrier.arrive $0xFFFF  }
0xf0: {  	_ =	shalt  }

</sc_bundles>
